<compile_context>
chip_gen: v7x
topology: tpu7x:2x2x1
jax: 0.10.2.dev20260603
libtpu: 0.0.44.dev20260713+nightly
codegen_flags: <defaults>
</compile_context>

<pallas_src>
import functools

import jax
import jax.numpy as jnp
from jax import lax
from jax.experimental import pallas as pl
from jax.experimental.pallas import tpu as pltpu
from jax.experimental.pallas import tpu_sc as plsc

NTOKEN = 100000
DMODEL = 1024
SEQLEN = 2048
BATCH = 4
EPS = 1e-5

NC = 2
NS = 16
NW = NC * NS
NTOK = BATCH * SEQLEN

SC_TOK = NTOK

NSLICE = 2
NTOKK = SC_TOK // NSLICE
HSEQ = SEQLEN // NSLICE
WPB = NW // BATCH
TOK_PER_W = HSEQ // WPB
CH = 16
NCH = TOK_PER_W // CH
NBUF = 6
LOOKAHEAD = 4

BS = 1024
SBLK = SEQLEN // BS
GRIDK = NTOKK // BS



def _sc_body(ids_hbm, tok_tab, out_hbm, ids_v, *scratch):
    wid = lax.axis_index("s") * NC + lax.axis_index("c")
    b = wid // WPB
    k = wid % WPB
    base = b * HSEQ + k * TOK_PER_W
    bufs = scratch[:NBUF]
    gsems = scratch[NBUF:2 * NBUF]
    osems = scratch[2 * NBUF:3 * NBUF]

    pltpu.sync_copy(ids_hbm.at[pl.ds(base, TOK_PER_W)], ids_v)

    def issue_gather(n, p):
        idx = ids_v.at[pl.ds(n * CH, CH)]
        pltpu.async_copy(tok_tab.at[idx], bufs[p], gsems[p])

    def wait_gather(p):
        pltpu.make_async_copy(tok_tab.at[pl.ds(0, CH)], bufs[p],
                              gsems[p]).wait()

    def issue_store(n, p):
        off = pl.multiple_of(base + n * CH, CH)
        pltpu.async_copy(bufs[p], out_hbm.at[pl.ds(off, CH)], osems[p])

    def wait_store(p):
        pltpu.make_async_copy(bufs[p], out_hbm.at[pl.ds(0, CH)],
                              osems[p]).wait()

    L = min(LOOKAHEAD, NCH)
    for n in range(L):
        issue_gather(n, n % NBUF)
    for n in range(NCH):
        wait_gather(n % NBUF)
        issue_store(n, n % NBUF)
        m = n + L
        if m < NCH:
            q = m % NBUF
            if m >= NBUF:
                wait_store(q)
            issue_gather(m, q)
    for k in range(max(0, NCH - NBUF), NCH):
        wait_store(k % NBUF)


def _sc_gather(ids_s, token_table):
    mesh = plsc.VectorSubcoreMesh(
        core_axis_name="c", subcore_axis_name="s",
        num_cores=NC, num_subcores=NS)
    run = pl.kernel(
        _sc_body,
        out_type=jax.ShapeDtypeStruct((NTOKK, DMODEL), jnp.float32),
        mesh=mesh,
        compiler_params=pltpu.CompilerParams(needs_layout_passes=False),
        scratch_types=(
            [pltpu.VMEM((TOK_PER_W,), jnp.int32)]
            + [pltpu.VMEM((CH, DMODEL), jnp.float32)] * NBUF
            + [pltpu.SemaphoreType.DMA] * (2 * NBUF)
        ),
    )
    return run(ids_s, token_table)


def _tc_body(x_ref, pos_ref, seg_ref, segtab_ref, lnw_ref,
             lnb_ref, out_ref):
    seg = seg_ref[...]
    lanes = lax.broadcasted_iota(jnp.int32, (BS, 3), 1)
    onehot = (seg == lanes).astype(jnp.float32)
    seg_emb = jnp.dot(onehot, segtab_ref[...],
                      preferred_element_type=jnp.float32)
    x = (x_ref[...] + pos_ref[...]) + seg_emb
    ones = jnp.ones((DMODEL, 1), jnp.float32)
    s1 = jnp.dot(x, ones, preferred_element_type=jnp.float32)
    s2 = jnp.dot(x * x, ones, preferred_element_type=jnp.float32)
    mean = s1 * (1.0 / DMODEL)
    var = s2 * (1.0 / DMODEL) - mean * mean
    rstd = lax.rsqrt(var + EPS)
    w = lnw_ref[...]
    out_ref[...] = (x * rstd - mean * rstd) * w + lnb_ref[...]


def _tc_finish(prev, x, segs_s, position_table, segment_table, lnw, lnb, s):
    hblk = HSEQ // BS
    gridk = BATCH * hblk

    def xmap(i):
        return ((i % BATCH) * hblk + i // BATCH, 0)

    def posmap(i):
        return (s * hblk + i // BATCH, 0)

    def omap(i):
        return ((i % BATCH) * SBLK + s * hblk + i // BATCH, 0)

    def body(*refs):
        if prev is None:
            _tc_body(*refs)
        else:
            _tc_body(*refs[1:])

    in_specs = [
        pl.BlockSpec((BS, DMODEL), xmap),
        pl.BlockSpec((BS, DMODEL), posmap),
        pl.BlockSpec((BS, 1), omap),
        pl.BlockSpec((3, DMODEL), lambda i: (0, 0)),
        pl.BlockSpec((1, DMODEL), lambda i: (0, 0)),
        pl.BlockSpec((1, DMODEL), lambda i: (0, 0)),
    ]
    args = [x, position_table, segs_s, segment_table,
            lnw.reshape(1, DMODEL), lnb.reshape(1, DMODEL)]
    aliases = {}
    if prev is not None:
        in_specs = [pl.BlockSpec(memory_space=pl.ANY)] + in_specs
        args = [prev] + args
        aliases = {0: 0}
    return pl.pallas_call(
        body,
        grid=(gridk,),
        in_specs=in_specs,
        out_specs=pl.BlockSpec((BS, DMODEL), omap),
        out_shape=jax.ShapeDtypeStruct((NTOK, DMODEL), jnp.float32),
        input_output_aliases=aliases,
        compiler_params=pltpu.CompilerParams(
            dimension_semantics=("arbitrary",)),
    )(*args)


@jax.jit
def kernel(input_ids, segments, token_table, position_table, segment_table,
           ln_weight, ln_bias):
    segs = segments.reshape(NTOK, 1).astype(jnp.int32)
    ids2 = input_ids.reshape(BATCH, SEQLEN).astype(jnp.int32)
    gathered = [
        _sc_gather(ids2[:, s * HSEQ:(s + 1) * HSEQ].reshape(NTOKK),
                   token_table)
        for s in range(NSLICE)
    ]
    out = None
    for s in range(NSLICE):
        out = _tc_finish(out, gathered[s], segs,
                         position_table, segment_table,
                         ln_weight, ln_bias, s)
    return out.reshape(BATCH, SEQLEN, DMODEL)

# --- scband reference (transcript-rebuilt; emitter-appended) ---
"""Pipeline reference for scband-bertembedding-86440511799863 (READ-ONLY COPY).

The authoritative reference and input builder live on the scoring server;
editing this copy changes nothing except your own understanding.
"""

import jax, jax.numpy as jnp
import numpy as np

NTOKEN = 100000
DMODEL = 1024
SEQLEN = 2048
BATCH = 4
EPS = 1e-05


def setup_inputs(seed: int = 0) -> dict:
    key = jax.random.key(seed)
    k1, k2, k3, k4, k5 = jax.random.split(key, 5)
    input_ids = jax.random.randint(k1, (BATCH, SEQLEN), 0, NTOKEN)
    segments = jax.random.randint(k2, (BATCH, SEQLEN), 0, 3)
    token_table = jax.random.normal(k3, (NTOKEN, DMODEL), dtype=jnp.float32) * 0.02
    token_table = token_table.at[0].set(0.0)  # padding_idx=0
    position_table = jax.random.normal(k4, (SEQLEN, DMODEL), dtype=jnp.float32) * 0.02
    position_table = position_table.at[0].set(0.0)  # padding_idx=0
    segment_table = jax.random.normal(k5, (3, DMODEL), dtype=jnp.float32) * 0.02
    segment_table = segment_table.at[0].set(0.0)  # padding_idx=0
    ln_weight = jnp.ones((DMODEL,), dtype=jnp.float32)
    ln_bias = jnp.zeros((DMODEL,), dtype=jnp.float32)
    return {
        "input_ids": input_ids,
        "segments": segments,
        "token_table": token_table,
        "position_table": position_table,
        "segment_table": segment_table,
        "ln_weight": ln_weight,
        "ln_bias": ln_bias,
    }


def _layer_norm(x, w, b, eps=EPS):
    mean = jnp.mean(x, axis=-1, keepdims=True)
    var = jnp.mean(jnp.square(x - mean), axis=-1, keepdims=True)
    xhat = (x - mean) / jnp.sqrt(var + eps)
    return xhat * w + b


def reference(input_ids, segments, token_table, position_table, segment_table, ln_weight, ln_bias):
    positions = jnp.arange(input_ids.shape[-1], dtype=input_ids.dtype)
    tok_embed = jnp.take(token_table, input_ids, axis=0)
    pos_embed = jnp.take(position_table, positions, axis=0)
    seg_embed = jnp.take(segment_table, segments, axis=0)
    x = tok_embed + pos_embed + seg_embed
    # dropout is identity in eval mode
    return _layer_norm(x, ln_weight, ln_bias)

if __name__ == "__main__":
    import jax
    _d = setup_inputs()
    print(jax.jit(kernel)(*tuple(_d.values())))

</pallas_src>

<mosaic_0001>
#map = affine_map<(d0, d1) -> (0)>
#map1 = affine_map<(d0, d1) -> (0, 0)>
module attributes {stable_mosaic.version = 14 : i64} {
  func.func @_sc_body(%arg0: i32, %arg1: i32, %arg2: memref<4096xi32, #tpu.memory_space<hbm>>, %arg3: memref<100000x1024xf32, #tpu.memory_space<hbm>>, %arg4: memref<4096x1024xf32, #tpu.memory_space<hbm>>, %arg5: memref<128xi32, #tpu.memory_space<vmem>>, %arg6: memref<16x1024xf32, #tpu.memory_space<vmem>>, %arg7: memref<16x1024xf32, #tpu.memory_space<vmem>>, %arg8: memref<16x1024xf32, #tpu.memory_space<vmem>>, %arg9: memref<16x1024xf32, #tpu.memory_space<vmem>>, %arg10: memref<16x1024xf32, #tpu.memory_space<vmem>>, %arg11: memref<16x1024xf32, #tpu.memory_space<vmem>>, %arg12: memref<!tpu.dma_semaphore, #tpu.memory_space<semaphore_mem>>, %arg13: memref<!tpu.dma_semaphore, #tpu.memory_space<semaphore_mem>>, %arg14: memref<!tpu.dma_semaphore, #tpu.memory_space<semaphore_mem>>, %arg15: memref<!tpu.dma_semaphore, #tpu.memory_space<semaphore_mem>>, %arg16: memref<!tpu.dma_semaphore, #tpu.memory_space<semaphore_mem>>, %arg17: memref<!tpu.dma_semaphore, #tpu.memory_space<semaphore_mem>>, %arg18: memref<!tpu.dma_semaphore, #tpu.memory_space<semaphore_mem>>, %arg19: memref<!tpu.dma_semaphore, #tpu.memory_space<semaphore_mem>>, %arg20: memref<!tpu.dma_semaphore, #tpu.memory_space<semaphore_mem>>, %arg21: memref<!tpu.dma_semaphore, #tpu.memory_space<semaphore_mem>>, %arg22: memref<!tpu.dma_semaphore, #tpu.memory_space<semaphore_mem>>, %arg23: memref<!tpu.dma_semaphore, #tpu.memory_space<semaphore_mem>>) attributes {dimension_semantics = [#tpu.dimension_semantics<core_parallel>, #tpu.dimension_semantics<subcore_parallel>], iteration_bounds = array<i64: 2, 16>, scalar_prefetch = 0 : i64, scratch_operands = 19 : i64, tpu.core_type = #tpu.core_type<sc_vector_subcore>, window_params = [{transform_indices = #map}, {transform_indices = #map1}, {transform_indices = #map1}]} {
    %mul3A = arith.constant 2 : i32
    %mul3A_0 = arith.muli %arg1, %mul3A : i32
    %add3A = arith.addi %mul3A_0, %arg0 : i32
    %jit3A = arith.constant 8 : i32
    %div3A = arith.divsi %add3A, %jit3A : i32
    %sign3A = arith.constant 0 : i32
    %sign3A_1 = arith.cmpi sgt, %add3A, %sign3A : i32
    %sign3A_2 = arith.extui %sign3A_1 : i1 to i32
    %sign3A_3 = arith.constant 0 : i32
    %sign3A_4 = arith.cmpi slt, %add3A, %sign3A_3 : i32
    %sign3A_5 = arith.extui %sign3A_4 : i1 to i32
    %sign3A_6 = arith.subi %sign3A_2, %sign3A_5 : i32
    %sign3A_7 = arith.constant 0 : i32
    %sign3A_8 = arith.cmpi sgt, %jit3A, %sign3A_7 : i32
    %sign3A_9 = arith.extui %sign3A_8 : i1 to i32
    %sign3A_10 = arith.constant 0 : i32
    %sign3A_11 = arith.cmpi slt, %jit3A, %sign3A_10 : i32
    %sign3A_12 = arith.extui %sign3A_11 : i1 to i32
    %sign3A_13 = arith.subi %sign3A_9, %sign3A_12 : i32
    %ne3A = arith.cmpi ne, %sign3A_6, %sign3A_13 : i32
    %rem3A = arith.remsi %add3A, %jit3A : i32
    %ne3A_14 = arith.constant 0 : i32
    %ne3A_15 = arith.cmpi ne, %rem3A, %ne3A_14 : i32
    %and3A = arith.andi %ne3A, %ne3A_15 : i1
    %sub3A = arith.constant 1 : i32
    %sub3A_16 = arith.subi %div3A, %sub3A : i32
    %select_n3A = arith.select %and3A, %sub3A_16, %div3A : i32
    %jit3A_17 = arith.constant 8 : i32
    %eq3A = arith.constant 0 : i32
    %eq3A_18 = arith.cmpi eq, %jit3A_17, %eq3A : i32
    %jit3A_19 = arith.constant 1 : i32
    %select_n3A_20 = arith.select %eq3A_18, %jit3A_19, %jit3A_17 : i32
    %rem3A_21 = arith.remsi %add3A, %select_n3A_20 : i32
    %ne3A_22 = arith.constant 0 : i32
    %ne3A_23 = arith.cmpi ne, %rem3A_21, %ne3A_22 : i32
    %lt3A = arith.constant 0 : i32
    %lt3A_24 = arith.cmpi slt, %rem3A_21, %lt3A : i32
    %lt3A_25 = arith.constant 0 : i32
    %lt3A_26 = arith.cmpi slt, %select_n3A_20, %lt3A_25 : i32
    %ne3A_27 = arith.xori %lt3A_24, %lt3A_26 : i1
    %and3A_28 = arith.andi %ne3A_27, %ne3A_23 : i1
    %add3A_29 = arith.addi %rem3A_21, %select_n3A_20 : i32
    %select_n3A_30 = arith.select %and3A_28, %add3A_29, %rem3A_21 : i32
    %mul3A_31 = arith.constant 1024 : i32
    %mul3A_32 = arith.muli %select_n3A, %mul3A_31 : i32
    %mul3A_33 = arith.constant 128 : i32
    %mul3A_34 = arith.muli %select_n3A_30, %mul3A_33 : i32
    %add3A_35 = arith.addi %mul3A_32, %mul3A_34 : i32
    "tpu.region"() ({
      %run_scoped3A = tpu.sem_alloc : memref<!tpu.dma_semaphore, #tpu.memory_space<semaphore_mem>>
      %dma_start3A_225 = tpu.memref_slice %arg2[%add3A_35] : memref<4096xi32, #tpu.memory_space<hbm>> -> memref<128xi32, #tpu.memory_space<hbm>>
      %dma_start3A_226 = tpu.memref_slice %arg2[%add3A_35] : memref<4096xi32, #tpu.memory_space<hbm>> -> memref<128xi32, #tpu.memory_space<hbm>>
      tpu.enqueue_dma source(%dma_start3A_226 : memref<128xi32, #tpu.memory_space<hbm>>) target(%arg5 : memref<128xi32, #tpu.memory_space<vmem>>) target_semaphore(%run_scoped3A : memref<!tpu.dma_semaphore, #tpu.memory_space<semaphore_mem>>)
      %dma_wait3A_227 = tpu.memref_slice %arg2[%add3A_35] : memref<4096xi32, #tpu.memory_space<hbm>> -> memref<128xi32, #tpu.memory_space<hbm>>
      %dma_wait3A_228 = tpu.memref_slice %arg2[%add3A_35] : memref<4096xi32, #tpu.memory_space<hbm>> -> memref<128xi32, #tpu.memory_space<hbm>>
      tpu.wait_dma2 semaphore(%run_scoped3A : memref<!tpu.dma_semaphore, #tpu.memory_space<semaphore_mem>>) src(%dma_wait3A_228 : memref<128xi32, #tpu.memory_space<hbm>>) dst(%arg5 : memref<128xi32, #tpu.memory_space<vmem>>)
      tpu.yield
    }) : () -> ()
    %dma_start3A = arith.constant 0 : i32
    %dma_start3A_36 = tpu.memref_slice %arg5[%dma_start3A] : memref<128xi32, #tpu.memory_space<vmem>> -> memref<16xi32, #tpu.memory_space<vmem>>
    %dma_start3A_37 = arith.constant 0 : i32
    %dma_start3A_38 = arith.constant 0 : i32
    %dma_start3A_39 = tpu.memref_slice %arg3[%dma_start3A_37, %dma_start3A_38] : memref<100000x1024xf32, #tpu.memory_space<hbm>> -> memref<100000x1024xf32, #tpu.memory_space<hbm>>
    tpu.enqueue_indirect_dma source(%dma_start3A_39 : memref<100000x1024xf32, #tpu.memory_space<hbm>>) target(%arg6 : memref<16x1024xf32, #tpu.memory_space<vmem>>) offsets(%dma_start3A_36 : memref<16xi32, #tpu.memory_space<vmem>>) semaphore(%arg12 : memref<!tpu.dma_semaphore, #tpu.memory_space<semaphore_mem>>)
    %dma_start3A_40 = arith.constant 16 : i32
    %dma_start3A_41 = tpu.memref_slice %arg5[%dma_start3A_40] : memref<128xi32, #tpu.memory_space<vmem>> -> memref<16xi32, #tpu.memory_space<vmem>>
    %dma_start3A_42 = arith.constant 0 : i32
    %dma_start3A_43 = arith.constant 0 : i32
    %dma_start3A_44 = tpu.memref_slice %arg3[%dma_start3A_42, %dma_start3A_43] : memref<100000x1024xf32, #tpu.memory_space<hbm>> -> memref<100000x1024xf32, #tpu.memory_space<hbm>>
    tpu.enqueue_indirect_dma source(%dma_start3A_44 : memref<100000x1024xf32, #tpu.memory_space<hbm>>) target(%arg7 : memref<16x1024xf32, #tpu.memory_space<vmem>>) offsets(%dma_start3A_41 : memref<16xi32, #tpu.memory_space<vmem>>) semaphore(%arg13 : memref<!tpu.dma_semaphore, #tpu.memory_space<semaphore_mem>>)
    %dma_start3A_45 = arith.constant 32 : i32
    %dma_start3A_46 = tpu.memref_slice %arg5[%dma_start3A_45] : memref<128xi32, #tpu.memory_space<vmem>> -> memref<16xi32, #tpu.memory_space<vmem>>
    %dma_start3A_47 = arith.constant 0 : i32
    %dma_start3A_48 = arith.constant 0 : i32
    %dma_start3A_49 = tpu.memref_slice %arg3[%dma_start3A_47, %dma_start3A_48] : memref<100000x1024xf32, #tpu.memory_space<hbm>> -> memref<100000x1024xf32, #tpu.memory_space<hbm>>
    tpu.enqueue_indirect_dma source(%dma_start3A_49 : memref<100000x1024xf32, #tpu.memory_space<hbm>>) target(%arg8 : memref<16x1024xf32, #tpu.memory_space<vmem>>) offsets(%dma_start3A_46 : memref<16xi32, #tpu.memory_space<vmem>>) semaphore(%arg14 : memref<!tpu.dma_semaphore, #tpu.memory_space<semaphore_mem>>)
    %dma_start3A_50 = arith.constant 48 : i32
    %dma_start3A_51 = tpu.memref_slice %arg5[%dma_start3A_50] : memref<128xi32, #tpu.memory_space<vmem>> -> memref<16xi32, #tpu.memory_space<vmem>>
    %dma_start3A_52 = arith.constant 0 : i32
    %dma_start3A_53 = arith.constant 0 : i32
    %dma_start3A_54 = tpu.memref_slice %arg3[%dma_start3A_52, %dma_start3A_53] : memref<100000x1024xf32, #tpu.memory_space<hbm>> -> memref<100000x1024xf32, #tpu.memory_space<hbm>>
    tpu.enqueue_indirect_dma source(%dma_start3A_54 : memref<100000x1024xf32, #tpu.memory_space<hbm>>) target(%arg9 : memref<16x1024xf32, #tpu.memory_space<vmem>>) offsets(%dma_start3A_51 : memref<16xi32, #tpu.memory_space<vmem>>) semaphore(%arg15 : memref<!tpu.dma_semaphore, #tpu.memory_space<semaphore_mem>>)
    %dma_wait3A = arith.constant 0 : i32
    %dma_wait3A_55 = arith.constant 0 : i32
    %dma_wait3A_56 = tpu.memref_slice %arg3[%dma_wait3A, %dma_wait3A_55] : memref<100000x1024xf32, #tpu.memory_space<hbm>> -> memref<16x1024xf32, #tpu.memory_space<hbm>>
    %dma_wait3A_57 = arith.constant 0 : i32
    %dma_wait3A_58 = arith.constant 0 : i32
    %dma_wait3A_59 = tpu.memref_slice %arg3[%dma_wait3A_57, %dma_wait3A_58] : memref<100000x1024xf32, #tpu.memory_space<hbm>> -> memref<16x1024xf32, #tpu.memory_space<hbm>>
    tpu.wait_dma2 semaphore(%arg12 : memref<!tpu.dma_semaphore, #tpu.memory_space<semaphore_mem>>) src(%dma_wait3A_59 : memref<16x1024xf32, #tpu.memory_space<hbm>>) dst(%arg6 : memref<16x1024xf32, #tpu.memory_space<vmem>>)
    %add3A_60 = arith.constant 0 : i32
    %add3A_61 = arith.addi %add3A_35, %add3A_60 : i32
    %multiple_of3A = tpu.assume_multiple %add3A_61, 16 : i32
    %dma_start3A_62 = arith.constant 0 : i32
    %dma_start3A_63 = tpu.memref_slice %arg4[%multiple_of3A, %dma_start3A_62] : memref<4096x1024xf32, #tpu.memory_space<hbm>> -> memref<16x1024xf32, #tpu.memory_space<hbm>>
    %dma_start3A_64 = arith.constant 0 : i32
    %dma_start3A_65 = tpu.memref_slice %arg4[%multiple_of3A, %dma_start3A_64] : memref<4096x1024xf32, #tpu.memory_space<hbm>> -> memref<16x1024xf32, #tpu.memory_space<hbm>>
    tpu.enqueue_dma source(%arg6 : memref<16x1024xf32, #tpu.memory_space<vmem>>) target(%dma_start3A_65 : memref<16x1024xf32, #tpu.memory_space<hbm>>) target_semaphore(%arg18 : memref<!tpu.dma_semaphore, #tpu.memory_space<semaphore_mem>>)
    %dma_start3A_66 = arith.constant 64 : i32
    %dma_start3A_67 = tpu.memref_slice %arg5[%dma_start3A_66] : memref<128xi32, #tpu.memory_space<vmem>> -> memref<16xi32, #tpu.memory_space<vmem>>
    %dma_start3A_68 = arith.constant 0 : i32
    %dma_start3A_69 = arith.constant 0 : i32
    %dma_start3A_70 = tpu.memref_slice %arg3[%dma_start3A_68, %dma_start3A_69] : memref<100000x1024xf32, #tpu.memory_space<hbm>> -> memref<100000x1024xf32, #tpu.memory_space<hbm>>
    tpu.enqueue_indirect_dma source(%dma_start3A_70 : memref<100000x1024xf32, #tpu.memory_space<hbm>>) target(%arg10 : memref<16x1024xf32, #tpu.memory_space<vmem>>) offsets(%dma_start3A_67 : memref<16xi32, #tpu.memory_space<vmem>>) semaphore(%arg16 : memref<!tpu.dma_semaphore, #tpu.memory_space<semaphore_mem>>)
    %dma_wait3A_71 = arith.constant 0 : i32
    %dma_wait3A_72 = arith.constant 0 : i32
    %dma_wait3A_73 = tpu.memref_slice %arg3[%dma_wait3A_71, %dma_wait3A_72] : memref<100000x1024xf32, #tpu.memory_space<hbm>> -> memref<16x1024xf32, #tpu.memory_space<hbm>>
    %dma_wait3A_74 = arith.constant 0 : i32
    %dma_wait3A_75 = arith.constant 0 : i32
    %dma_wait3A_76 = tpu.memref_slice %arg3[%dma_wait3A_74, %dma_wait3A_75] : memref<100000x1024xf32, #tpu.memory_space<hbm>> -> memref<16x1024xf32, #tpu.memory_space<hbm>>
    tpu.wait_dma2 semaphore(%arg13 : memref<!tpu.dma_semaphore, #tpu.memory_space<semaphore_mem>>) src(%dma_wait3A_76 : memref<16x1024xf32, #tpu.memory_space<hbm>>) dst(%arg7 : memref<16x1024xf32, #tpu.memory_space<vmem>>)
    %add3A_77 = arith.constant 16 : i32
    %add3A_78 = arith.addi %add3A_35, %add3A_77 : i32
    %multiple_of3A_79 = tpu.assume_multiple %add3A_78, 16 : i32
    %dma_start3A_80 = arith.constant 0 : i32
    %dma_start3A_81 = tpu.memref_slice %arg4[%multiple_of3A_79, %dma_start3A_80] : memref<4096x1024xf32, #tpu.memory_space<hbm>> -> memref<16x1024xf32, #tpu.memory_space<hbm>>
    %dma_start3A_82 = arith.constant 0 : i32
    %dma_start3A_83 = tpu.memref_slice %arg4[%multiple_of3A_79, %dma_start3A_82] : memref<4096x1024xf32, #tpu.memory_space<hbm>> -> memref<16x1024xf32, #tpu.memory_space<hbm>>
    tpu.enqueue_dma source(%arg7 : memref<16x1024xf32, #tpu.memory_space<vmem>>) target(%dma_start3A_83 : memref<16x1024xf32, #tpu.memory_space<hbm>>) target_semaphore(%arg19 : memref<!tpu.dma_semaphore, #tpu.memory_space<semaphore_mem>>)
    %dma_start3A_84 = arith.constant 80 : i32
    %dma_start3A_85 = tpu.memref_slice %arg5[%dma_start3A_84] : memref<128xi32, #tpu.memory_space<vmem>> -> memref<16xi32, #tpu.memory_space<vmem>>
    %dma_start3A_86 = arith.constant 0 : i32
    %dma_start3A_87 = arith.constant 0 : i32
    %dma_start3A_88 = tpu.memref_slice %arg3[%dma_start3A_86, %dma_start3A_87] : memref<100000x1024xf32, #tpu.memory_space<hbm>> -> memref<100000x1024xf32, #tpu.memory_space<hbm>>
    tpu.enqueue_indirect_dma source(%dma_start3A_88 : memref<100000x1024xf32, #tpu.memory_space<hbm>>) target(%arg11 : memref<16x1024xf32, #tpu.memory_space<vmem>>) offsets(%dma_start3A_85 : memref<16xi32, #tpu.memory_space<vmem>>) semaphore(%arg17 : memref<!tpu.dma_semaphore, #tpu.memory_space<semaphore_mem>>)
    %dma_wait3A_89 = arith.constant 0 : i32
    %dma_wait3A_90 = arith.constant 0 : i32
    %dma_wait3A_91 = tpu.memref_slice %arg3[%dma_wait3A_89, %dma_wait3A_90] : memref<100000x1024xf32, #tpu.memory_space<hbm>> -> memref<16x1024xf32, #tpu.memory_space<hbm>>
    %dma_wait3A_92 = arith.constant 0 : i32
    %dma_wait3A_93 = arith.constant 0 : i32
    %dma_wait3A_94 = tpu.memref_slice %arg3[%dma_wait3A_92, %dma_wait3A_93] : memref<100000x1024xf32, #tpu.memory_space<hbm>> -> memref<16x1024xf32, #tpu.memory_space<hbm>>
    tpu.wait_dma2 semaphore(%arg14 : memref<!tpu.dma_semaphore, #tpu.memory_space<semaphore_mem>>) src(%dma_wait3A_94 : memref<16x1024xf32, #tpu.memory_space<hbm>>) dst(%arg8 : memref<16x1024xf32, #tpu.memory_space<vmem>>)
    %add3A_95 = arith.constant 32 : i32
    %add3A_96 = arith.addi %add3A_35, %add3A_95 : i32
    %multiple_of3A_97 = tpu.assume_multiple %add3A_96, 16 : i32
    %dma_start3A_98 = arith.constant 0 : i32
    %dma_start3A_99 = tpu.memref_slice %arg4[%multiple_of3A_97, %dma_start3A_98] : memref<4096x1024xf32, #tpu.memory_space<hbm>> -> memref<16x1024xf32, #tpu.memory_space<hbm>>
    %dma_start3A_100 = arith.constant 0 : i32
    %dma_start3A_101 = tpu.memref_slice %arg4[%multiple_of3A_97, %dma_start3A_100] : memref<4096x1024xf32, #tpu.memory_space<hbm>> -> memref<16x1024xf32, #tpu.memory_space<hbm>>
    tpu.enqueue_dma source(%arg8 : memref<16x1024xf32, #tpu.memory_space<vmem>>) target(%dma_start3A_101 : memref<16x1024xf32, #tpu.memory_space<hbm>>) target_semaphore(%arg20 : memref<!tpu.dma_semaphore, #tpu.memory_space<semaphore_mem>>)
    %dma_wait3A_102 = arith.constant 0 : i32
    %dma_wait3A_103 = arith.constant 0 : i32
    %dma_wait3A_104 = tpu.memref_slice %arg4[%dma_wait3A_102, %dma_wait3A_103] : memref<4096x1024xf32, #tpu.memory_space<hbm>> -> memref<16x1024xf32, #tpu.memory_space<hbm>>
    %dma_wait3A_105 = arith.constant 0 : i32
    %dma_wait3A_106 = arith.constant 0 : i32
    %dma_wait3A_107 = tpu.memref_slice %arg4[%dma_wait3A_105, %dma_wait3A_106] : memref<4096x1024xf32, #tpu.memory_space<hbm>> -> memref<16x1024xf32, #tpu.memory_space<hbm>>
    tpu.wait_dma2 semaphore(%arg18 : memref<!tpu.dma_semaphore, #tpu.memory_space<semaphore_mem>>) src(%arg6 : memref<16x1024xf32, #tpu.memory_space<vmem>>) dst(%dma_wait3A_107 : memref<16x1024xf32, #tpu.memory_space<hbm>>)
    %dma_start3A_108 = arith.constant 96 : i32
    %dma_start3A_109 = tpu.memref_slice %arg5[%dma_start3A_108] : memref<128xi32, #tpu.memory_space<vmem>> -> memref<16xi32, #tpu.memory_space<vmem>>
    %dma_start3A_110 = arith.constant 0 : i32
    %dma_start3A_111 = arith.constant 0 : i32
    %dma_start3A_112 = tpu.memref_slice %arg3[%dma_start3A_110, %dma_start3A_111] : memref<100000x1024xf32, #tpu.memory_space<hbm>> -> memref<100000x1024xf32, #tpu.memory_space<hbm>>
    tpu.enqueue_indirect_dma source(%dma_start3A_112 : memref<100000x1024xf32, #tpu.memory_space<hbm>>) target(%arg6 : memref<16x1024xf32, #tpu.memory_space<vmem>>) offsets(%dma_start3A_109 : memref<16xi32, #tpu.memory_space<vmem>>) semaphore(%arg12 : memref<!tpu.dma_semaphore, #tpu.memory_space<semaphore_mem>>)
    %dma_wait3A_113 = arith.constant 0 : i32
    %dma_wait3A_114 = arith.constant 0 : i32
    %dma_wait3A_115 = tpu.memref_slice %arg3[%dma_wait3A_113, %dma_wait3A_114] : memref<100000x1024xf32, #tpu.memory_space<hbm>> -> memref<16x1024xf32, #tpu.memory_space<hbm>>
    %dma_wait3A_116 = arith.constant 0 : i32
    %dma_wait3A_117 = arith.constant 0 : i32
    %dma_wait3A_118 = tpu.memref_slice %arg3[%dma_wait3A_116, %dma_wait3A_117] : memref<100000x1024xf32, #tpu.memory_space<hbm>> -> memref<16x1024xf32, #tpu.memory_space<hbm>>
    tpu.wait_dma2 semaphore(%arg15 : memref<!tpu.dma_semaphore, #tpu.memory_space<semaphore_mem>>) src(%dma_wait3A_118 : memref<16x1024xf32, #tpu.memory_space<hbm>>) dst(%arg9 : memref<16x1024xf32, #tpu.memory_space<vmem>>)
    %add3A_119 = arith.constant 48 : i32
    %add3A_120 = arith.addi %add3A_35, %add3A_119 : i32
    %multiple_of3A_121 = tpu.assume_multiple %add3A_120, 16 : i32
    %dma_start3A_122 = arith.constant 0 : i32
    %dma_start3A_123 = tpu.memref_slice %arg4[%multiple_of3A_121, %dma_start3A_122] : memref<4096x1024xf32, #tpu.memory_space<hbm>> -> memref<16x1024xf32, #tpu.memory_space<hbm>>
    %dma_start3A_124 = arith.constant 0 : i32
    %dma_start3A_125 = tpu.memref_slice %arg4[%multiple_of3A_121, %dma_start3A_124] : memref<4096x1024xf32, #tpu.memory_space<hbm>> -> memref<16x1024xf32, #tpu.memory_space<hbm>>
    tpu.enqueue_dma source(%arg9 : memref<16x1024xf32, #tpu.memory_space<vmem>>) target(%dma_start3A_125 : memref<16x1024xf32, #tpu.memory_space<hbm>>) target_semaphore(%arg21 : memref<!tpu.dma_semaphore, #tpu.memory_space<semaphore_mem>>)
    %dma_wait3A_126 = arith.constant 0 : i32
    %dma_wait3A_127 = arith.constant 0 : i32
    %dma_wait3A_128 = tpu.memref_slice %arg4[%dma_wait3A_126, %dma_wait3A_127] : memref<4096x1024xf32, #tpu.memory_space<hbm>> -> memref<16x1024xf32, #tpu.memory_space<hbm>>
    %dma_wait3A_129 = arith.constant 0 : i32
    %dma_wait3A_130 = arith.constant 0 : i32
    %dma_wait3A_131 = tpu.memref_slice %arg4[%dma_wait3A_129, %dma_wait3A_130] : memref<4096x1024xf32, #tpu.memory_space<hbm>> -> memref<16x1024xf32, #tpu.memory_space<hbm>>
    tpu.wait_dma2 semaphore(%arg19 : memref<!tpu.dma_semaphore, #tpu.memory_space<semaphore_mem>>) src(%arg7 : memref<16x1024xf32, #tpu.memory_space<vmem>>) dst(%dma_wait3A_131 : memref<16x1024xf32, #tpu.memory_space<hbm>>)
    %dma_start3A_132 = arith.constant 112 : i32
    %dma_start3A_133 = tpu.memref_slice %arg5[%dma_start3A_132] : memref<128xi32, #tpu.memory_space<vmem>> -> memref<16xi32, #tpu.memory_space<vmem>>
    %dma_start3A_134 = arith.constant 0 : i32
    %dma_start3A_135 = arith.constant 0 : i32
    %dma_start3A_136 = tpu.memref_slice %arg3[%dma_start3A_134, %dma_start3A_135] : memref<100000x1024xf32, #tpu.memory_space<hbm>> -> memref<100000x1024xf32, #tpu.memory_space<hbm>>
    tpu.enqueue_indirect_dma source(%dma_start3A_136 : memref<100000x1024xf32, #tpu.memory_space<hbm>>) target(%arg7 : memref<16x1024xf32, #tpu.memory_space<vmem>>) offsets(%dma_start3A_133 : memref<16xi32, #tpu.memory_space<vmem>>) semaphore(%arg13 : memref<!tpu.dma_semaphore, #tpu.memory_space<semaphore_mem>>)
    %dma_wait3A_137 = arith.constant 0 : i32
    %dma_wait3A_138 = arith.constant 0 : i32
    %dma_wait3A_139 = tpu.memref_slice %arg3[%dma_wait3A_137, %dma_wait3A_138] : memref<100000x1024xf32, #tpu.memory_space<hbm>> -> memref<16x1024xf32, #tpu.memory_space<hbm>>
    %dma_wait3A_140 = arith.constant 0 : i32
    %dma_wait3A_141 = arith.constant 0 : i32
    %dma_wait3A_142 = tpu.memref_slice %arg3[%dma_wait3A_140, %dma_wait3A_141] : memref<100000x1024xf32, #tpu.memory_space<hbm>> -> memref<16x1024xf32, #tpu.memory_space<hbm>>
    tpu.wait_dma2 semaphore(%arg16 : memref<!tpu.dma_semaphore, #tpu.memory_space<semaphore_mem>>) src(%dma_wait3A_142 : memref<16x1024xf32, #tpu.memory_space<hbm>>) dst(%arg10 : memref<16x1024xf32, #tpu.memory_space<vmem>>)
    %add3A_143 = arith.constant 64 : i32
    %add3A_144 = arith.addi %add3A_35, %add3A_143 : i32
    %multiple_of3A_145 = tpu.assume_multiple %add3A_144, 16 : i32
    %dma_start3A_146 = arith.constant 0 : i32
    %dma_start3A_147 = tpu.memref_slice %arg4[%multiple_of3A_145, %dma_start3A_146] : memref<4096x1024xf32, #tpu.memory_space<hbm>> -> memref<16x1024xf32, #tpu.memory_space<hbm>>
    %dma_start3A_148 = arith.constant 0 : i32
    %dma_start3A_149 = tpu.memref_slice %arg4[%multiple_of3A_145, %dma_start3A_148] : memref<4096x1024xf32, #tpu.memory_space<hbm>> -> memref<16x1024xf32, #tpu.memory_space<hbm>>
    tpu.enqueue_dma source(%arg10 : memref<16x1024xf32, #tpu.memory_space<vmem>>) target(%dma_start3A_149 : memref<16x1024xf32, #tpu.memory_space<hbm>>) target_semaphore(%arg22 : memref<!tpu.dma_semaphore, #tpu.memory_space<semaphore_mem>>)
    %dma_wait3A_150 = arith.constant 0 : i32
    %dma_wait3A_151 = arith.constant 0 : i32
    %dma_wait3A_152 = tpu.memref_slice %arg3[%dma_wait3A_150, %dma_wait3A_151] : memref<100000x1024xf32, #tpu.memory_space<hbm>> -> memref<16x1024xf32, #tpu.memory_space<hbm>>
    %dma_wait3A_153 = arith.constant 0 : i32
    %dma_wait3A_154 = arith.constant 0 : i32
    %dma_wait3A_155 = tpu.memref_slice %arg3[%dma_wait3A_153, %dma_wait3A_154] : memref<100000x1024xf32, #tpu.memory_space<hbm>> -> memref<16x1024xf32, #tpu.memory_space<hbm>>
    tpu.wait_dma2 semaphore(%arg17 : memref<!tpu.dma_semaphore, #tpu.memory_space<semaphore_mem>>) src(%dma_wait3A_155 : memref<16x1024xf32, #tpu.memory_space<hbm>>) dst(%arg11 : memref<16x1024xf32, #tpu.memory_space<vmem>>)
    %add3A_156 = arith.constant 80 : i32
    %add3A_157 = arith.addi %add3A_35, %add3A_156 : i32
    %multiple_of3A_158 = tpu.assume_multiple %add3A_157, 16 : i32
    %dma_start3A_159 = arith.constant 0 : i32
    %dma_start3A_160 = tpu.memref_slice %arg4[%multiple_of3A_158, %dma_start3A_159] : memref<4096x1024xf32, #tpu.memory_space<hbm>> -> memref<16x1024xf32, #tpu.memory_space<hbm>>
    %dma_start3A_161 = arith.constant 0 : i32
    %dma_start3A_162 = tpu.memref_slice %arg4[%multiple_of3A_158, %dma_start3A_161] : memref<4096x1024xf32, #tpu.memory_space<hbm>> -> memref<16x1024xf32, #tpu.memory_space<hbm>>
    tpu.enqueue_dma source(%arg11 : memref<16x1024xf32, #tpu.memory_space<vmem>>) target(%dma_start3A_162 : memref<16x1024xf32, #tpu.memory_space<hbm>>) target_semaphore(%arg23 : memref<!tpu.dma_semaphore, #tpu.memory_space<semaphore_mem>>)
    %dma_wait3A_163 = arith.constant 0 : i32
    %dma_wait3A_164 = arith.constant 0 : i32
    %dma_wait3A_165 = tpu.memref_slice %arg3[%dma_wait3A_163, %dma_wait3A_164] : memref<100000x1024xf32, #tpu.memory_space<hbm>> -> memref<16x1024xf32, #tpu.memory_space<hbm>>
    %dma_wait3A_166 = arith.constant 0 : i32
    %dma_wait3A_167 = arith.constant 0 : i32
    %dma_wait3A_168 = tpu.memref_slice %arg3[%dma_wait3A_166, %dma_wait3A_167] : memref<100000x1024xf32, #tpu.memory_space<hbm>> -> memref<16x1024xf32, #tpu.memory_space<hbm>>
    tpu.wait_dma2 semaphore(%arg12 : memref<!tpu.dma_semaphore, #tpu.memory_space<semaphore_mem>>) src(%dma_wait3A_168 : memref<16x1024xf32, #tpu.memory_space<hbm>>) dst(%arg6 : memref<16x1024xf32, #tpu.memory_space<vmem>>)
    %add3A_169 = arith.constant 96 : i32
    %add3A_170 = arith.addi %add3A_35, %add3A_169 : i32
    %multiple_of3A_171 = tpu.assume_multiple %add3A_170, 16 : i32
    %dma_start3A_172 = arith.constant 0 : i32
    %dma_start3A_173 = tpu.memref_slice %arg4[%multiple_of3A_171, %dma_start3A_172] : memref<4096x1024xf32, #tpu.memory_space<hbm>> -> memref<16x1024xf32, #tpu.memory_space<hbm>>
    %dma_start3A_174 = arith.constant 0 : i32
    %dma_start3A_175 = tpu.memref_slice %arg4[%multiple_of3A_171, %dma_start3A_174] : memref<4096x1024xf32, #tpu.memory_space<hbm>> -> memref<16x1024xf32, #tpu.memory_space<hbm>>
    tpu.enqueue_dma source(%arg6 : memref<16x1024xf32, #tpu.memory_space<vmem>>) target(%dma_start3A_175 : memref<16x1024xf32, #tpu.memory_space<hbm>>) target_semaphore(%arg18 : memref<!tpu.dma_semaphore, #tpu.memory_space<semaphore_mem>>)
    %dma_wait3A_176 = arith.constant 0 : i32
    %dma_wait3A_177 = arith.constant 0 : i32
    %dma_wait3A_178 = tpu.memref_slice %arg3[%dma_wait3A_176, %dma_wait3A_177] : memref<100000x1024xf32, #tpu.memory_space<hbm>> -> memref<16x1024xf32, #tpu.memory_space<hbm>>
    %dma_wait3A_179 = arith.constant 0 : i32
    %dma_wait3A_180 = arith.constant 0 : i32
    %dma_wait3A_181 = tpu.memref_slice %arg3[%dma_wait3A_179, %dma_wait3A_180] : memref<100000x1024xf32, #tpu.memory_space<hbm>> -> memref<16x1024xf32, #tpu.memory_space<hbm>>
    tpu.wait_dma2 semaphore(%arg13 : memref<!tpu.dma_semaphore, #tpu.memory_space<semaphore_mem>>) src(%dma_wait3A_181 : memref<16x1024xf32, #tpu.memory_space<hbm>>) dst(%arg7 : memref<16x1024xf32, #tpu.memory_space<vmem>>)
    %add3A_182 = arith.constant 112 : i32
    %add3A_183 = arith.addi %add3A_35, %add3A_182 : i32
    %multiple_of3A_184 = tpu.assume_multiple %add3A_183, 16 : i32
    %dma_start3A_185 = arith.constant 0 : i32
    %dma_start3A_186 = tpu.memref_slice %arg4[%multiple_of3A_184, %dma_start3A_185] : memref<4096x1024xf32, #tpu.memory_space<hbm>> -> memref<16x1024xf32, #tpu.memory_space<hbm>>
    %dma_start3A_187 = arith.constant 0 : i32
    %dma_start3A_188 = tpu.memref_slice %arg4[%multiple_of3A_184, %dma_start3A_187] : memref<4096x1024xf32, #tpu.memory_space<hbm>> -> memref<16x1024xf32, #tpu.memory_space<hbm>>
    tpu.enqueue_dma source(%arg7 : memref<16x1024xf32, #tpu.memory_space<vmem>>) target(%dma_start3A_188 : memref<16x1024xf32, #tpu.memory_space<hbm>>) target_semaphore(%arg19 : memref<!tpu.dma_semaphore, #tpu.memory_space<semaphore_mem>>)
    %dma_wait3A_189 = arith.constant 0 : i32
    %dma_wait3A_190 = arith.constant 0 : i32
    %dma_wait3A_191 = tpu.memref_slice %arg4[%dma_wait3A_189, %dma_wait3A_190] : memref<4096x1024xf32, #tpu.memory_space<hbm>> -> memref<16x1024xf32, #tpu.memory_space<hbm>>
    %dma_wait3A_192 = arith.constant 0 : i32
    %dma_wait3A_193 = arith.constant 0 : i32
    %dma_wait3A_194 = tpu.memref_slice %arg4[%dma_wait3A_192, %dma_wait3A_193] : memref<4096x1024xf32, #tpu.memory_space<hbm>> -> memref<16x1024xf32, #tpu.memory_space<hbm>>
    tpu.wait_dma2 semaphore(%arg20 : memref<!tpu.dma_semaphore, #tpu.memory_space<semaphore_mem>>) src(%arg8 : memref<16x1024xf32, #tpu.memory_space<vmem>>) dst(%dma_wait3A_194 : memref<16x1024xf32, #tpu.memory_space<hbm>>)
    %dma_wait3A_195 = arith.constant 0 : i32
    %dma_wait3A_196 = arith.constant 0 : i32
    %dma_wait3A_197 = tpu.memref_slice %arg4[%dma_wait3A_195, %dma_wait3A_196] : memref<4096x1024xf32, #tpu.memory_space<hbm>> -> memref<16x1024xf32, #tpu.memory_space<hbm>>
    %dma_wait3A_198 = arith.constant 0 : i32
    %dma_wait3A_199 = arith.constant 0 : i32
    %dma_wait3A_200 = tpu.memref_slice %arg4[%dma_wait3A_198, %dma_wait3A_199] : memref<4096x1024xf32, #tpu.memory_space<hbm>> -> memref<16x1024xf32, #tpu.memory_space<hbm>>
    tpu.wait_dma2 semaphore(%arg21 : memref<!tpu.dma_semaphore, #tpu.memory_space<semaphore_mem>>) src(%arg9 : memref<16x1024xf32, #tpu.memory_space<vmem>>) dst(%dma_wait3A_200 : memref<16x1024xf32, #tpu.memory_space<hbm>>)
    %dma_wait3A_201 = arith.constant 0 : i32
    %dma_wait3A_202 = arith.constant 0 : i32
    %dma_wait3A_203 = tpu.memref_slice %arg4[%dma_wait3A_201, %dma_wait3A_202] : memref<4096x1024xf32, #tpu.memory_space<hbm>> -> memref<16x1024xf32, #tpu.memory_space<hbm>>
    %dma_wait3A_204 = arith.constant 0 : i32
    %dma_wait3A_205 = arith.constant 0 : i32
    %dma_wait3A_206 = tpu.memref_slice %arg4[%dma_wait3A_204, %dma_wait3A_205] : memref<4096x1024xf32, #tpu.memory_space<hbm>> -> memref<16x1024xf32, #tpu.memory_space<hbm>>
    tpu.wait_dma2 semaphore(%arg22 : memref<!tpu.dma_semaphore, #tpu.memory_space<semaphore_mem>>) src(%arg10 : memref<16x1024xf32, #tpu.memory_space<vmem>>) dst(%dma_wait3A_206 : memref<16x1024xf32, #tpu.memory_space<hbm>>)
    %dma_wait3A_207 = arith.constant 0 : i32
    %dma_wait3A_208 = arith.constant 0 : i32
    %dma_wait3A_209 = tpu.memref_slice %arg4[%dma_wait3A_207, %dma_wait3A_208] : memref<4096x1024xf32, #tpu.memory_space<hbm>> -> memref<16x1024xf32, #tpu.memory_space<hbm>>
    %dma_wait3A_210 = arith.constant 0 : i32
    %dma_wait3A_211 = arith.constant 0 : i32
    %dma_wait3A_212 = tpu.memref_slice %arg4[%dma_wait3A_210, %dma_wait3A_211] : memref<4096x1024xf32, #tpu.memory_space<hbm>> -> memref<16x1024xf32, #tpu.memory_space<hbm>>
    tpu.wait_dma2 semaphore(%arg23 : memref<!tpu.dma_semaphore, #tpu.memory_space<semaphore_mem>>) src(%arg11 : memref<16x1024xf32, #tpu.memory_space<vmem>>) dst(%dma_wait3A_212 : memref<16x1024xf32, #tpu.memory_space<hbm>>)
    %dma_wait3A_213 = arith.constant 0 : i32
    %dma_wait3A_214 = arith.constant 0 : i32
    %dma_wait3A_215 = tpu.memref_slice %arg4[%dma_wait3A_213, %dma_wait3A_214] : memref<4096x1024xf32, #tpu.memory_space<hbm>> -> memref<16x1024xf32, #tpu.memory_space<hbm>>
    %dma_wait3A_216 = arith.constant 0 : i32
    %dma_wait3A_217 = arith.constant 0 : i32
    %dma_wait3A_218 = tpu.memref_slice %arg4[%dma_wait3A_216, %dma_wait3A_217] : memref<4096x1024xf32, #tpu.memory_space<hbm>> -> memref<16x1024xf32, #tpu.memory_space<hbm>>
    tpu.wait_dma2 semaphore(%arg18 : memref<!tpu.dma_semaphore, #tpu.memory_space<semaphore_mem>>) src(%arg6 : memref<16x1024xf32, #tpu.memory_space<vmem>>) dst(%dma_wait3A_218 : memref<16x1024xf32, #tpu.memory_space<hbm>>)
    %dma_wait3A_219 = arith.constant 0 : i32
    %dma_wait3A_220 = arith.constant 0 : i32
    %dma_wait3A_221 = tpu.memref_slice %arg4[%dma_wait3A_219, %dma_wait3A_220] : memref<4096x1024xf32, #tpu.memory_space<hbm>> -> memref<16x1024xf32, #tpu.memory_space<hbm>>
    %dma_wait3A_222 = arith.constant 0 : i32
    %dma_wait3A_223 = arith.constant 0 : i32
    %dma_wait3A_224 = tpu.memref_slice %arg4[%dma_wait3A_222, %dma_wait3A_223] : memref<4096x1024xf32, #tpu.memory_space<hbm>> -> memref<16x1024xf32, #tpu.memory_space<hbm>>
    tpu.wait_dma2 semaphore(%arg19 : memref<!tpu.dma_semaphore, #tpu.memory_space<semaphore_mem>>) src(%arg7 : memref<16x1024xf32, #tpu.memory_space<vmem>>) dst(%dma_wait3A_224 : memref<16x1024xf32, #tpu.memory_space<hbm>>)
    return
  }
}

#map = affine_map<(d0, d1) -> (0)>
#map1 = affine_map<(d0, d1) -> (0, 0)>
module attributes {stable_mosaic.version = 14 : i64} {
  func.func @_sc_body(%arg0: i32, %arg1: i32, %arg2: memref<4096xi32, #tpu.memory_space<hbm>>, %arg3: memref<100000x1024xf32, #tpu.memory_space<hbm>>, %arg4: memref<4096x1024xf32, #tpu.memory_space<hbm>>, %arg5: memref<128xi32, #tpu.memory_space<vmem>>, %arg6: memref<16x1024xf32, #tpu.memory_space<vmem>>, %arg7: memref<16x1024xf32, #tpu.memory_space<vmem>>, %arg8: memref<16x1024xf32, #tpu.memory_space<vmem>>, %arg9: memref<16x1024xf32, #tpu.memory_space<vmem>>, %arg10: memref<16x1024xf32, #tpu.memory_space<vmem>>, %arg11: memref<16x1024xf32, #tpu.memory_space<vmem>>, %arg12: memref<!tpu.dma_semaphore, #tpu.memory_space<semaphore_mem>>, %arg13: memref<!tpu.dma_semaphore, #tpu.memory_space<semaphore_mem>>, %arg14: memref<!tpu.dma_semaphore, #tpu.memory_space<semaphore_mem>>, %arg15: memref<!tpu.dma_semaphore, #tpu.memory_space<semaphore_mem>>, %arg16: memref<!tpu.dma_semaphore, #tpu.memory_space<semaphore_mem>>, %arg17: memref<!tpu.dma_semaphore, #tpu.memory_space<semaphore_mem>>, %arg18: memref<!tpu.dma_semaphore, #tpu.memory_space<semaphore_mem>>, %arg19: memref<!tpu.dma_semaphore, #tpu.memory_space<semaphore_mem>>, %arg20: memref<!tpu.dma_semaphore, #tpu.memory_space<semaphore_mem>>, %arg21: memref<!tpu.dma_semaphore, #tpu.memory_space<semaphore_mem>>, %arg22: memref<!tpu.dma_semaphore, #tpu.memory_space<semaphore_mem>>, %arg23: memref<!tpu.dma_semaphore, #tpu.memory_space<semaphore_mem>>) attributes {dimension_semantics = [#tpu.dimension_semantics<core_parallel>, #tpu.dimension_semantics<subcore_parallel>], iteration_bounds = array<i64: 2, 16>, scalar_prefetch = 0 : i64, scratch_operands = 19 : i64, tpu.core_type = #tpu.core_type<sc_vector_subcore>, window_params = [{transform_indices = #map}, {transform_indices = #map1}, {transform_indices = #map1}]} {
    %mul3A = arith.constant 2 : i32
    %mul3A_0 = arith.muli %arg1, %mul3A : i32
    %add3A = arith.addi %mul3A_0, %arg0 : i32
    %jit3A = arith.constant 8 : i32
    %div3A = arith.divsi %add3A, %jit3A : i32
    %sign3A = arith.constant 0 : i32
    %sign3A_1 = arith.cmpi sgt, %add3A, %sign3A : i32
    %sign3A_2 = arith.extui %sign3A_1 : i1 to i32
    %sign3A_3 = arith.constant 0 : i32
    %sign3A_4 = arith.cmpi slt, %add3A, %sign3A_3 : i32
    %sign3A_5 = arith.extui %sign3A_4 : i1 to i32
    %sign3A_6 = arith.subi %sign3A_2, %sign3A_5 : i32
    %sign3A_7 = arith.constant 0 : i32
    %sign3A_8 = arith.cmpi sgt, %jit3A, %sign3A_7 : i32
    %sign3A_9 = arith.extui %sign3A_8 : i1 to i32
    %sign3A_10 = arith.constant 0 : i32
    %sign3A_11 = arith.cmpi slt, %jit3A, %sign3A_10 : i32
    %sign3A_12 = arith.extui %sign3A_11 : i1 to i32
    %sign3A_13 = arith.subi %sign3A_9, %sign3A_12 : i32
    %ne3A = arith.cmpi ne, %sign3A_6, %sign3A_13 : i32
    %rem3A = arith.remsi %add3A, %jit3A : i32
    %ne3A_14 = arith.constant 0 : i32
    %ne3A_15 = arith.cmpi ne, %rem3A, %ne3A_14 : i32
    %and3A = arith.andi %ne3A, %ne3A_15 : i1
    %sub3A = arith.constant 1 : i32
    %sub3A_16 = arith.subi %div3A, %sub3A : i32
    %select_n3A = arith.select %and3A, %sub3A_16, %div3A : i32
    %jit3A_17 = arith.constant 8 : i32
    %eq3A = arith.constant 0 : i32
    %eq3A_18 = arith.cmpi eq, %jit3A_17, %eq3A : i32
    %jit3A_19 = arith.constant 1 : i32
    %select_n3A_20 = arith.select %eq3A_18, %jit3A_19, %jit3A_17 : i32
    %rem3A_21 = arith.remsi %add3A, %select_n3A_20 : i32
    %ne3A_22 = arith.constant 0 : i32
    %ne3A_23 = arith.cmpi ne, %rem3A_21, %ne3A_22 : i32
    %lt3A = arith.constant 0 : i32
    %lt3A_24 = arith.cmpi slt, %rem3A_21, %lt3A : i32
    %lt3A_25 = arith.constant 0 : i32
    %lt3A_26 = arith.cmpi slt, %select_n3A_20, %lt3A_25 : i32
    %ne3A_27 = arith.xori %lt3A_24, %lt3A_26 : i1
    %and3A_28 = arith.andi %ne3A_27, %ne3A_23 : i1
    %add3A_29 = arith.addi %rem3A_21, %select_n3A_20 : i32
    %select_n3A_30 = arith.select %and3A_28, %add3A_29, %rem3A_21 : i32
    %mul3A_31 = arith.constant 1024 : i32
    %mul3A_32 = arith.muli %select_n3A, %mul3A_31 : i32
    %mul3A_33 = arith.constant 128 : i32
    %mul3A_34 = arith.muli %select_n3A_30, %mul3A_33 : i32
    %add3A_35 = arith.addi %mul3A_32, %mul3A_34 : i32
    "tpu.region"() ({
      %run_scoped3A = tpu.sem_alloc : memref<!tpu.dma_semaphore, #tpu.memory_space<semaphore_mem>>
      %dma_start3A_225 = tpu.memref_slice %arg2[%add3A_35] : memref<4096xi32, #tpu.memory_space<hbm>> -> memref<128xi32, #tpu.memory_space<hbm>>
      %dma_start3A_226 = tpu.memref_slice %arg2[%add3A_35] : memref<4096xi32, #tpu.memory_space<hbm>> -> memref<128xi32, #tpu.memory_space<hbm>>
      tpu.enqueue_dma source(%dma_start3A_226 : memref<128xi32, #tpu.memory_space<hbm>>) target(%arg5 : memref<128xi32, #tpu.memory_space<vmem>>) target_semaphore(%run_scoped3A : memref<!tpu.dma_semaphore, #tpu.memory_space<semaphore_mem>>)
      %dma_wait3A_227 = tpu.memref_slice %arg2[%add3A_35] : memref<4096xi32, #tpu.memory_space<hbm>> -> memref<128xi32, #tpu.memory_space<hbm>>
      %dma_wait3A_228 = tpu.memref_slice %arg2[%add3A_35] : memref<4096xi32, #tpu.memory_space<hbm>> -> memref<128xi32, #tpu.memory_space<hbm>>
      tpu.wait_dma2 semaphore(%run_scoped3A : memref<!tpu.dma_semaphore, #tpu.memory_space<semaphore_mem>>) src(%dma_wait3A_228 : memref<128xi32, #tpu.memory_space<hbm>>) dst(%arg5 : memref<128xi32, #tpu.memory_space<vmem>>)
      tpu.yield
    }) : () -> ()
    %dma_start3A = arith.constant 0 : i32
    %dma_start3A_36 = tpu.memref_slice %arg5[%dma_start3A] : memref<128xi32, #tpu.memory_space<vmem>> -> memref<16xi32, #tpu.memory_space<vmem>>
    %dma_start3A_37 = arith.constant 0 : i32
    %dma_start3A_38 = arith.constant 0 : i32
    %dma_start3A_39 = tpu.memref_slice %arg3[%dma_start3A_37, %dma_start3A_38] : memref<100000x1024xf32, #tpu.memory_space<hbm>> -> memref<100000x1024xf32, #tpu.memory_space<hbm>>
    tpu.enqueue_indirect_dma source(%dma_start3A_39 : memref<100000x1024xf32, #tpu.memory_space<hbm>>) target(%arg6 : memref<16x1024xf32, #tpu.memory_space<vmem>>) offsets(%dma_start3A_36 : memref<16xi32, #tpu.memory_space<vmem>>) semaphore(%arg12 : memref<!tpu.dma_semaphore, #tpu.memory_space<semaphore_mem>>)
    %dma_start3A_40 = arith.constant 16 : i32
    %dma_start3A_41 = tpu.memref_slice %arg5[%dma_start3A_40] : memref<128xi32, #tpu.memory_space<vmem>> -> memref<16xi32, #tpu.memory_space<vmem>>
    %dma_start3A_42 = arith.constant 0 : i32
    %dma_start3A_43 = arith.constant 0 : i32
    %dma_start3A_44 = tpu.memref_slice %arg3[%dma_start3A_42, %dma_start3A_43] : memref<100000x1024xf32, #tpu.memory_space<hbm>> -> memref<100000x1024xf32, #tpu.memory_space<hbm>>
    tpu.enqueue_indirect_dma source(%dma_start3A_44 : memref<100000x1024xf32, #tpu.memory_space<hbm>>) target(%arg7 : memref<16x1024xf32, #tpu.memory_space<vmem>>) offsets(%dma_start3A_41 : memref<16xi32, #tpu.memory_space<vmem>>) semaphore(%arg13 : memref<!tpu.dma_semaphore, #tpu.memory_space<semaphore_mem>>)
    %dma_start3A_45 = arith.constant 32 : i32
    %dma_start3A_46 = tpu.memref_slice %arg5[%dma_start3A_45] : memref<128xi32, #tpu.memory_space<vmem>> -> memref<16xi32, #tpu.memory_space<vmem>>
    %dma_start3A_47 = arith.constant 0 : i32
    %dma_start3A_48 = arith.constant 0 : i32
    %dma_start3A_49 = tpu.memref_slice %arg3[%dma_start3A_47, %dma_start3A_48] : memref<100000x1024xf32, #tpu.memory_space<hbm>> -> memref<100000x1024xf32, #tpu.memory_space<hbm>>
    tpu.enqueue_indirect_dma source(%dma_start3A_49 : memref<100000x1024xf32, #tpu.memory_space<hbm>>) target(%arg8 : memref<16x1024xf32, #tpu.memory_space<vmem>>) offsets(%dma_start3A_46 : memref<16xi32, #tpu.memory_space<vmem>>) semaphore(%arg14 : memref<!tpu.dma_semaphore, #tpu.memory_space<semaphore_mem>>)
    %dma_start3A_50 = arith.constant 48 : i32
    %dma_start3A_51 = tpu.memref_slice %arg5[%dma_start3A_50] : memref<128xi32, #tpu.memory_space<vmem>> -> memref<16xi32, #tpu.memory_space<vmem>>
    %dma_start3A_52 = arith.constant 0 : i32
    %dma_start3A_53 = arith.constant 0 : i32
    %dma_start3A_54 = tpu.memref_slice %arg3[%dma_start3A_52, %dma_start3A_53] : memref<100000x1024xf32, #tpu.memory_space<hbm>> -> memref<100000x1024xf32, #tpu.memory_space<hbm>>
    tpu.enqueue_indirect_dma source(%dma_start3A_54 : memref<100000x1024xf32, #tpu.memory_space<hbm>>) target(%arg9 : memref<16x1024xf32, #tpu.memory_space<vmem>>) offsets(%dma_start3A_51 : memref<16xi32, #tpu.memory_space<vmem>>) semaphore(%arg15 : memref<!tpu.dma_semaphore, #tpu.memory_space<semaphore_mem>>)
    %dma_wait3A = arith.constant 0 : i32
    %dma_wait3A_55 = arith.constant 0 : i32
    %dma_wait3A_56 = tpu.memref_slice %arg3[%dma_wait3A, %dma_wait3A_55] : memref<100000x1024xf32, #tpu.memory_space<hbm>> -> memref<16x1024xf32, #tpu.memory_space<hbm>>
    %dma_wait3A_57 = arith.constant 0 : i32
    %dma_wait3A_58 = arith.constant 0 : i32
    %dma_wait3A_59 = tpu.memref_slice %arg3[%dma_wait3A_57, %dma_wait3A_58] : memref<100000x1024xf32, #tpu.memory_space<hbm>> -> memref<16x1024xf32, #tpu.memory_space<hbm>>
    tpu.wait_dma2 semaphore(%arg12 : memref<!tpu.dma_semaphore, #tpu.memory_space<semaphore_mem>>) src(%dma_wait3A_59 : memref<16x1024xf32, #tpu.memory_space<hbm>>) dst(%arg6 : memref<16x1024xf32, #tpu.memory_space<vmem>>)
    %add3A_60 = arith.constant 0 : i32
    %add3A_61 = arith.addi %add3A_35, %add3A_60 : i32
    %multiple_of3A = tpu.assume_multiple %add3A_61, 16 : i32
    %dma_start3A_62 = arith.constant 0 : i32
    %dma_start3A_63 = tpu.memref_slice %arg4[%multiple_of3A, %dma_start3A_62] : memref<4096x1024xf32, #tpu.memory_space<hbm>> -> memref<16x1024xf32, #tpu.memory_space<hbm>>
    %dma_start3A_64 = arith.constant 0 : i32
    %dma_start3A_65 = tpu.memref_slice %arg4[%multiple_of3A, %dma_start3A_64] : memref<4096x1024xf32, #tpu.memory_space<hbm>> -> memref<16x1024xf32, #tpu.memory_space<hbm>>
    tpu.enqueue_dma source(%arg6 : memref<16x1024xf32, #tpu.memory_space<vmem>>) target(%dma_start3A_65 : memref<16x1024xf32, #tpu.memory_space<hbm>>) target_semaphore(%arg18 : memref<!tpu.dma_semaphore, #tpu.memory_space<semaphore_mem>>)
    %dma_start3A_66 = arith.constant 64 : i32
    %dma_start3A_67 = tpu.memref_slice %arg5[%dma_start3A_66] : memref<128xi32, #tpu.memory_space<vmem>> -> memref<16xi32, #tpu.memory_space<vmem>>
    %dma_start3A_68 = arith.constant 0 : i32
    %dma_start3A_69 = arith.constant 0 : i32
    %dma_start3A_70 = tpu.memref_slice %arg3[%dma_start3A_68, %dma_start3A_69] : memref<100000x1024xf32, #tpu.memory_space<hbm>> -> memref<100000x1024xf32, #tpu.memory_space<hbm>>
    tpu.enqueue_indirect_dma source(%dma_start3A_70 : memref<100000x1024xf32, #tpu.memory_space<hbm>>) target(%arg10 : memref<16x1024xf32, #tpu.memory_space<vmem>>) offsets(%dma_start3A_67 : memref<16xi32, #tpu.memory_space<vmem>>) semaphore(%arg16 : memref<!tpu.dma_semaphore, #tpu.memory_space<semaphore_mem>>)
    %dma_wait3A_71 = arith.constant 0 : i32
    %dma_wait3A_72 = arith.constant 0 : i32
    %dma_wait3A_73 = tpu.memref_slice %arg3[%dma_wait3A_71, %dma_wait3A_72] : memref<100000x1024xf32, #tpu.memory_space<hbm>> -> memref<16x1024xf32, #tpu.memory_space<hbm>>
    %dma_wait3A_74 = arith.constant 0 : i32
    %dma_wait3A_75 = arith.constant 0 : i32
    %dma_wait3A_76 = tpu.memref_slice %arg3[%dma_wait3A_74, %dma_wait3A_75] : memref<100000x1024xf32, #tpu.memory_space<hbm>> -> memref<16x1024xf32, #tpu.memory_space<hbm>>
    tpu.wait_dma2 semaphore(%arg13 : memref<!tpu.dma_semaphore, #tpu.memory_space<semaphore_mem>>) src(%dma_wait3A_76 : memref<16x1024xf32, #tpu.memory_space<hbm>>) dst(%arg7 : memref<16x1024xf32, #tpu.memory_space<vmem>>)
    %add3A_77 = arith.constant 16 : i32
    %add3A_78 = arith.addi %add3A_35, %add3A_77 : i32
    %multiple_of3A_79 = tpu.assume_multiple %add3A_78, 16 : i32
    %dma_start3A_80 = arith.constant 0 : i32
    %dma_start3A_81 = tpu.memref_slice %arg4[%multiple_of3A_79, %dma_start3A_80] : memref<4096x1024xf32, #tpu.memory_space<hbm>> -> memref<16x1024xf32, #tpu.memory_space<hbm>>
    %dma_start3A_82 = arith.constant 0 : i32
    %dma_start3A_83 = tpu.memref_slice %arg4[%multiple_of3A_79, %dma_start3A_82] : memref<4096x1024xf32, #tpu.memory_space<hbm>> -> memref<16x1024xf32, #tpu.memory_space<hbm>>
    tpu.enqueue_dma source(%arg7 : memref<16x1024xf32, #tpu.memory_space<vmem>>) target(%dma_start3A_83 : memref<16x1024xf32, #tpu.memory_space<hbm>>) target_semaphore(%arg19 : memref<!tpu.dma_semaphore, #tpu.memory_space<semaphore_mem>>)
    %dma_start3A_84 = arith.constant 80 : i32
    %dma_start3A_85 = tpu.memref_slice %arg5[%dma_start3A_84] : memref<128xi32, #tpu.memory_space<vmem>> -> memref<16xi32, #tpu.memory_space<vmem>>
    %dma_start3A_86 = arith.constant 0 : i32
    %dma_start3A_87 = arith.constant 0 : i32
    %dma_start3A_88 = tpu.memref_slice %arg3[%dma_start3A_86, %dma_start3A_87] : memref<100000x1024xf32, #tpu.memory_space<hbm>> -> memref<100000x1024xf32, #tpu.memory_space<hbm>>
    tpu.enqueue_indirect_dma source(%dma_start3A_88 : memref<100000x1024xf32, #tpu.memory_space<hbm>>) target(%arg11 : memref<16x1024xf32, #tpu.memory_space<vmem>>) offsets(%dma_start3A_85 : memref<16xi32, #tpu.memory_space<vmem>>) semaphore(%arg17 : memref<!tpu.dma_semaphore, #tpu.memory_space<semaphore_mem>>)
    %dma_wait3A_89 = arith.constant 0 : i32
    %dma_wait3A_90 = arith.constant 0 : i32
    %dma_wait3A_91 = tpu.memref_slice %arg3[%dma_wait3A_89, %dma_wait3A_90] : memref<100000x1024xf32, #tpu.memory_space<hbm>> -> memref<16x1024xf32, #tpu.memory_space<hbm>>
    %dma_wait3A_92 = arith.constant 0 : i32
    %dma_wait3A_93 = arith.constant 0 : i32
    %dma_wait3A_94 = tpu.memref_slice %arg3[%dma_wait3A_92, %dma_wait3A_93] : memref<100000x1024xf32, #tpu.memory_space<hbm>> -> memref<16x1024xf32, #tpu.memory_space<hbm>>
    tpu.wait_dma2 semaphore(%arg14 : memref<!tpu.dma_semaphore, #tpu.memory_space<semaphore_mem>>) src(%dma_wait3A_94 : memref<16x1024xf32, #tpu.memory_space<hbm>>) dst(%arg8 : memref<16x1024xf32, #tpu.memory_space<vmem>>)
    %add3A_95 = arith.constant 32 : i32
    %add3A_96 = arith.addi %add3A_35, %add3A_95 : i32
    %multiple_of3A_97 = tpu.assume_multiple %add3A_96, 16 : i32
    %dma_start3A_98 = arith.constant 0 : i32
    %dma_start3A_99 = tpu.memref_slice %arg4[%multiple_of3A_97, %dma_start3A_98] : memref<4096x1024xf32, #tpu.memory_space<hbm>> -> memref<16x1024xf32, #tpu.memory_space<hbm>>
    %dma_start3A_100 = arith.constant 0 : i32
    %dma_start3A_101 = tpu.memref_slice %arg4[%multiple_of3A_97, %dma_start3A_100] : memref<4096x1024xf32, #tpu.memory_space<hbm>> -> memref<16x1024xf32, #tpu.memory_space<hbm>>
    tpu.enqueue_dma source(%arg8 : memref<16x1024xf32, #tpu.memory_space<vmem>>) target(%dma_start3A_101 : memref<16x1024xf32, #tpu.memory_space<hbm>>) target_semaphore(%arg20 : memref<!tpu.dma_semaphore, #tpu.memory_space<semaphore_mem>>)
    %dma_wait3A_102 = arith.constant 0 : i32
    %dma_wait3A_103 = arith.constant 0 : i32
    %dma_wait3A_104 = tpu.memref_slice %arg4[%dma_wait3A_102, %dma_wait3A_103] : memref<4096x1024xf32, #tpu.memory_space<hbm>> -> memref<16x1024xf32, #tpu.memory_space<hbm>>
    %dma_wait3A_105 = arith.constant 0 : i32
    %dma_wait3A_106 = arith.constant 0 : i32
    %dma_wait3A_107 = tpu.memref_slice %arg4[%dma_wait3A_105, %dma_wait3A_106] : memref<4096x1024xf32, #tpu.memory_space<hbm>> -> memref<16x1024xf32, #tpu.memory_space<hbm>>
    tpu.wait_dma2 semaphore(%arg18 : memref<!tpu.dma_semaphore, #tpu.memory_space<semaphore_mem>>) src(%arg6 : memref<16x1024xf32, #tpu.memory_space<vmem>>) dst(%dma_wait3A_107 : memref<16x1024xf32, #tpu.memory_space<hbm>>)
    %dma_start3A_108 = arith.constant 96 : i32
    %dma_start3A_109 = tpu.memref_slice %arg5[%dma_start3A_108] : memref<128xi32, #tpu.memory_space<vmem>> -> memref<16xi32, #tpu.memory_space<vmem>>
    %dma_start3A_110 = arith.constant 0 : i32
    %dma_start3A_111 = arith.constant 0 : i32
    %dma_start3A_112 = tpu.memref_slice %arg3[%dma_start3A_110, %dma_start3A_111] : memref<100000x1024xf32, #tpu.memory_space<hbm>> -> memref<100000x1024xf32, #tpu.memory_space<hbm>>
    tpu.enqueue_indirect_dma source(%dma_start3A_112 : memref<100000x1024xf32, #tpu.memory_space<hbm>>) target(%arg6 : memref<16x1024xf32, #tpu.memory_space<vmem>>) offsets(%dma_start3A_109 : memref<16xi32, #tpu.memory_space<vmem>>) semaphore(%arg12 : memref<!tpu.dma_semaphore, #tpu.memory_space<semaphore_mem>>)
    %dma_wait3A_113 = arith.constant 0 : i32
    %dma_wait3A_114 = arith.constant 0 : i32
    %dma_wait3A_115 = tpu.memref_slice %arg3[%dma_wait3A_113, %dma_wait3A_114] : memref<100000x1024xf32, #tpu.memory_space<hbm>> -> memref<16x1024xf32, #tpu.memory_space<hbm>>
    %dma_wait3A_116 = arith.constant 0 : i32
    %dma_wait3A_117 = arith.constant 0 : i32
    %dma_wait3A_118 = tpu.memref_slice %arg3[%dma_wait3A_116, %dma_wait3A_117] : memref<100000x1024xf32, #tpu.memory_space<hbm>> -> memref<16x1024xf32, #tpu.memory_space<hbm>>
    tpu.wait_dma2 semaphore(%arg15 : memref<!tpu.dma_semaphore, #tpu.memory_space<semaphore_mem>>) src(%dma_wait3A_118 : memref<16x1024xf32, #tpu.memory_space<hbm>>) dst(%arg9 : memref<16x1024xf32, #tpu.memory_space<vmem>>)
    %add3A_119 = arith.constant 48 : i32
    %add3A_120 = arith.addi %add3A_35, %add3A_119 : i32
    %multiple_of3A_121 = tpu.assume_multiple %add3A_120, 16 : i32
    %dma_start3A_122 = arith.constant 0 : i32
    %dma_start3A_123 = tpu.memref_slice %arg4[%multiple_of3A_121, %dma_start3A_122] : memref<4096x1024xf32, #tpu.memory_space<hbm>> -> memref<16x1024xf32, #tpu.memory_space<hbm>>
    %dma_start3A_124 = arith.constant 0 : i32
    %dma_start3A_125 = tpu.memref_slice %arg4[%multiple_of3A_121, %dma_start3A_124] : memref<4096x1024xf32, #tpu.memory_space<hbm>> -> memref<16x1024xf32, #tpu.memory_space<hbm>>
    tpu.enqueue_dma source(%arg9 : memref<16x1024xf32, #tpu.memory_space<vmem>>) target(%dma_start3A_125 : memref<16x1024xf32, #tpu.memory_space<hbm>>) target_semaphore(%arg21 : memref<!tpu.dma_semaphore, #tpu.memory_space<semaphore_mem>>)
    %dma_wait3A_126 = arith.constant 0 : i32
    %dma_wait3A_127 = arith.constant 0 : i32
    %dma_wait3A_128 = tpu.memref_slice %arg4[%dma_wait3A_126, %dma_wait3A_127] : memref<4096x1024xf32, #tpu.memory_space<hbm>> -> memref<16x1024xf32, #tpu.memory_space<hbm>>
    %dma_wait3A_129 = arith.constant 0 : i32
    %dma_wait3A_130 = arith.constant 0 : i32
    %dma_wait3A_131 = tpu.memref_slice %arg4[%dma_wait3A_129, %dma_wait3A_130] : memref<4096x1024xf32, #tpu.memory_space<hbm>> -> memref<16x1024xf32, #tpu.memory_space<hbm>>
    tpu.wait_dma2 semaphore(%arg19 : memref<!tpu.dma_semaphore, #tpu.memory_space<semaphore_mem>>) src(%arg7 : memref<16x1024xf32, #tpu.memory_space<vmem>>) dst(%dma_wait3A_131 : memref<16x1024xf32, #tpu.memory_space<hbm>>)
    %dma_start3A_132 = arith.constant 112 : i32
    %dma_start3A_133 = tpu.memref_slice %arg5[%dma_start3A_132] : memref<128xi32, #tpu.memory_space<vmem>> -> memref<16xi32, #tpu.memory_space<vmem>>
    %dma_start3A_134 = arith.constant 0 : i32
    %dma_start3A_135 = arith.constant 0 : i32
    %dma_start3A_136 = tpu.memref_slice %arg3[%dma_start3A_134, %dma_start3A_135] : memref<100000x1024xf32, #tpu.memory_space<hbm>> -> memref<100000x1024xf32, #tpu.memory_space<hbm>>
    tpu.enqueue_indirect_dma source(%dma_start3A_136 : memref<100000x1024xf32, #tpu.memory_space<hbm>>) target(%arg7 : memref<16x1024xf32, #tpu.memory_space<vmem>>) offsets(%dma_start3A_133 : memref<16xi32, #tpu.memory_space<vmem>>) semaphore(%arg13 : memref<!tpu.dma_semaphore, #tpu.memory_space<semaphore_mem>>)
    %dma_wait3A_137 = arith.constant 0 : i32
    %dma_wait3A_138 = arith.constant 0 : i32
    %dma_wait3A_139 = tpu.memref_slice %arg3[%dma_wait3A_137, %dma_wait3A_138] : memref<100000x1024xf32, #tpu.memory_space<hbm>> -> memref<16x1024xf32, #tpu.memory_space<hbm>>
    %dma_wait3A_140 = arith.constant 0 : i32
    %dma_wait3A_141 = arith.constant 0 : i32
    %dma_wait3A_142 = tpu.memref_slice %arg3[%dma_wait3A_140, %dma_wait3A_141] : memref<100000x1024xf32, #tpu.memory_space<hbm>> -> memref<16x1024xf32, #tpu.memory_space<hbm>>
    tpu.wait_dma2 semaphore(%arg16 : memref<!tpu.dma_semaphore, #tpu.memory_space<semaphore_mem>>) src(%dma_wait3A_142 : memref<16x1024xf32, #tpu.memory_space<hbm>>) dst(%arg10 : memref<16x1024xf32, #tpu.memory_space<vmem>>)
    %add3A_143 = arith.constant 64 : i32
    %add3A_144 = arith.addi %add3A_35, %add3A_143 : i32
    %multiple_of3A_145 = tpu.assume_multiple %add3A_144, 16 : i32
    %dma_start3A_146 = arith.constant 0 : i32
    %dma_start3A_147 = tpu.memref_slice %arg4[%multiple_of3A_145, %dma_start3A_146] : memref<4096x1024xf32, #tpu.memory_space<hbm>> -> memref<16x1024xf32, #tpu.memory_space<hbm>>
    %dma_start3A_148 = arith.constant 0 : i32
    %dma_start3A_149 = tpu.memref_slice %arg4[%multiple_of3A_145, %dma_start3A_148] : memref<4096x1024xf32, #tpu.memory_space<hbm>> -> memref<16x1024xf32, #tpu.memory_space<hbm>>
    tpu.enqueue_dma source(%arg10 : memref<16x1024xf32, #tpu.memory_space<vmem>>) target(%dma_start3A_149 : memref<16x1024xf32, #tpu.memory_space<hbm>>) target_semaphore(%arg22 : memref<!tpu.dma_semaphore, #tpu.memory_space<semaphore_mem>>)
    %dma_wait3A_150 = arith.constant 0 : i32
    %dma_wait3A_151 = arith.constant 0 : i32
    %dma_wait3A_152 = tpu.memref_slice %arg3[%dma_wait3A_150, %dma_wait3A_151] : memref<100000x1024xf32, #tpu.memory_space<hbm>> -> memref<16x1024xf32, #tpu.memory_space<hbm>>
    %dma_wait3A_153 = arith.constant 0 : i32
    %dma_wait3A_154 = arith.constant 0 : i32
    %dma_wait3A_155 = tpu.memref_slice %arg3[%dma_wait3A_153, %dma_wait3A_154] : memref<100000x1024xf32, #tpu.memory_space<hbm>> -> memref<16x1024xf32, #tpu.memory_space<hbm>>
    tpu.wait_dma2 semaphore(%arg17 : memref<!tpu.dma_semaphore, #tpu.memory_space<semaphore_mem>>) src(%dma_wait3A_155 : memref<16x1024xf32, #tpu.memory_space<hbm>>) dst(%arg11 : memref<16x1024xf32, #tpu.memory_space<vmem>>)
    %add3A_156 = arith.constant 80 : i32
    %add3A_157 = arith.addi %add3A_35, %add3A_156 : i32
    %multiple_of3A_158 = tpu.assume_multiple %add3A_157, 16 : i32
    %dma_start3A_159 = arith.constant 0 : i32
    %dma_start3A_160 = tpu.memref_slice %arg4[%multiple_of3A_158, %dma_start3A_159] : memref<4096x1024xf32, #tpu.memory_space<hbm>> -> memref<16x1024xf32, #tpu.memory_space<hbm>>
    %dma_start3A_161 = arith.constant 0 : i32
    %dma_start3A_162 = tpu.memref_slice %arg4[%multiple_of3A_158, %dma_start3A_161] : memref<4096x1024xf32, #tpu.memory_space<hbm>> -> memref<16x1024xf32, #tpu.memory_space<hbm>>
    tpu.enqueue_dma source(%arg11 : memref<16x1024xf32, #tpu.memory_space<vmem>>) target(%dma_start3A_162 : memref<16x1024xf32, #tpu.memory_space<hbm>>) target_semaphore(%arg23 : memref<!tpu.dma_semaphore, #tpu.memory_space<semaphore_mem>>)
    %dma_wait3A_163 = arith.constant 0 : i32
    %dma_wait3A_164 = arith.constant 0 : i32
    %dma_wait3A_165 = tpu.memref_slice %arg3[%dma_wait3A_163, %dma_wait3A_164] : memref<100000x1024xf32, #tpu.memory_space<hbm>> -> memref<16x1024xf32, #tpu.memory_space<hbm>>
    %dma_wait3A_166 = arith.constant 0 : i32
    %dma_wait3A_167 = arith.constant 0 : i32
    %dma_wait3A_168 = tpu.memref_slice %arg3[%dma_wait3A_166, %dma_wait3A_167] : memref<100000x1024xf32, #tpu.memory_space<hbm>> -> memref<16x1024xf32, #tpu.memory_space<hbm>>
    tpu.wait_dma2 semaphore(%arg12 : memref<!tpu.dma_semaphore, #tpu.memory_space<semaphore_mem>>) src(%dma_wait3A_168 : memref<16x1024xf32, #tpu.memory_space<hbm>>) dst(%arg6 : memref<16x1024xf32, #tpu.memory_space<vmem>>)
    %add3A_169 = arith.constant 96 : i32
    %add3A_170 = arith.addi %add3A_35, %add3A_169 : i32
    %multiple_of3A_171 = tpu.assume_multiple %add3A_170, 16 : i32
    %dma_start3A_172 = arith.constant 0 : i32
    %dma_start3A_173 = tpu.memref_slice %arg4[%multiple_of3A_171, %dma_start3A_172] : memref<4096x1024xf32, #tpu.memory_space<hbm>> -> memref<16x1024xf32, #tpu.memory_space<hbm>>
    %dma_start3A_174 = arith.constant 0 : i32
    %dma_start3A_175 = tpu.memref_slice %arg4[%multiple_of3A_171, %dma_start3A_174] : memref<4096x1024xf32, #tpu.memory_space<hbm>> -> memref<16x1024xf32, #tpu.memory_space<hbm>>
    tpu.enqueue_dma source(%arg6 : memref<16x1024xf32, #tpu.memory_space<vmem>>) target(%dma_start3A_175 : memref<16x1024xf32, #tpu.memory_space<hbm>>) target_semaphore(%arg18 : memref<!tpu.dma_semaphore, #tpu.memory_space<semaphore_mem>>)
    %dma_wait3A_176 = arith.constant 0 : i32
    %dma_wait3A_177 = arith.constant 0 : i32
    %dma_wait3A_178 = tpu.memref_slice %arg3[%dma_wait3A_176, %dma_wait3A_177] : memref<100000x1024xf32, #tpu.memory_space<hbm>> -> memref<16x1024xf32, #tpu.memory_space<hbm>>
    %dma_wait3A_179 = arith.constant 0 : i32
    %dma_wait3A_180 = arith.constant 0 : i32
    %dma_wait3A_181 = tpu.memref_slice %arg3[%dma_wait3A_179, %dma_wait3A_180] : memref<100000x1024xf32, #tpu.memory_space<hbm>> -> memref<16x1024xf32, #tpu.memory_space<hbm>>
    tpu.wait_dma2 semaphore(%arg13 : memref<!tpu.dma_semaphore, #tpu.memory_space<semaphore_mem>>) src(%dma_wait3A_181 : memref<16x1024xf32, #tpu.memory_space<hbm>>) dst(%arg7 : memref<16x1024xf32, #tpu.memory_space<vmem>>)
    %add3A_182 = arith.constant 112 : i32
    %add3A_183 = arith.addi %add3A_35, %add3A_182 : i32
    %multiple_of3A_184 = tpu.assume_multiple %add3A_183, 16 : i32
    %dma_start3A_185 = arith.constant 0 : i32
    %dma_start3A_186 = tpu.memref_slice %arg4[%multiple_of3A_184, %dma_start3A_185] : memref<4096x1024xf32, #tpu.memory_space<hbm>> -> memref<16x1024xf32, #tpu.memory_space<hbm>>
    %dma_start3A_187 = arith.constant 0 : i32
    %dma_start3A_188 = tpu.memref_slice %arg4[%multiple_of3A_184, %dma_start3A_187] : memref<4096x1024xf32, #tpu.memory_space<hbm>> -> memref<16x1024xf32, #tpu.memory_space<hbm>>
    tpu.enqueue_dma source(%arg7 : memref<16x1024xf32, #tpu.memory_space<vmem>>) target(%dma_start3A_188 : memref<16x1024xf32, #tpu.memory_space<hbm>>) target_semaphore(%arg19 : memref<!tpu.dma_semaphore, #tpu.memory_space<semaphore_mem>>)
    %dma_wait3A_189 = arith.constant 0 : i32
    %dma_wait3A_190 = arith.constant 0 : i32
    %dma_wait3A_191 = tpu.memref_slice %arg4[%dma_wait3A_189, %dma_wait3A_190] : memref<4096x1024xf32, #tpu.memory_space<hbm>> -> memref<16x1024xf32, #tpu.memory_space<hbm>>
    %dma_wait3A_192 = arith.constant 0 : i32
    %dma_wait3A_193 = arith.constant 0 : i32
    %dma_wait3A_194 = tpu.memref_slice %arg4[%dma_wait3A_192, %dma_wait3A_193] : memref<4096x1024xf32, #tpu.memory_space<hbm>> -> memref<16x1024xf32, #tpu.memory_space<hbm>>
    tpu.wait_dma2 semaphore(%arg20 : memref<!tpu.dma_semaphore, #tpu.memory_space<semaphore_mem>>) src(%arg8 : memref<16x1024xf32, #tpu.memory_space<vmem>>) dst(%dma_wait3A_194 : memref<16x1024xf32, #tpu.memory_space<hbm>>)
    %dma_wait3A_195 = arith.constant 0 : i32
    %dma_wait3A_196 = arith.constant 0 : i32
    %dma_wait3A_197 = tpu.memref_slice %arg4[%dma_wait3A_195, %dma_wait3A_196] : memref<4096x1024xf32, #tpu.memory_space<hbm>> -> memref<16x1024xf32, #tpu.memory_space<hbm>>
    %dma_wait3A_198 = arith.constant 0 : i32
    %dma_wait3A_199 = arith.constant 0 : i32
    %dma_wait3A_200 = tpu.memref_slice %arg4[%dma_wait3A_198, %dma_wait3A_199] : memref<4096x1024xf32, #tpu.memory_space<hbm>> -> memref<16x1024xf32, #tpu.memory_space<hbm>>
    tpu.wait_dma2 semaphore(%arg21 : memref<!tpu.dma_semaphore, #tpu.memory_space<semaphore_mem>>) src(%arg9 : memref<16x1024xf32, #tpu.memory_space<vmem>>) dst(%dma_wait3A_200 : memref<16x1024xf32, #tpu.memory_space<hbm>>)
    %dma_wait3A_201 = arith.constant 0 : i32
    %dma_wait3A_202 = arith.constant 0 : i32
    %dma_wait3A_203 = tpu.memref_slice %arg4[%dma_wait3A_201, %dma_wait3A_202] : memref<4096x1024xf32, #tpu.memory_space<hbm>> -> memref<16x1024xf32, #tpu.memory_space<hbm>>
    %dma_wait3A_204 = arith.constant 0 : i32
    %dma_wait3A_205 = arith.constant 0 : i32
    %dma_wait3A_206 = tpu.memref_slice %arg4[%dma_wait3A_204, %dma_wait3A_205] : memref<4096x1024xf32, #tpu.memory_space<hbm>> -> memref<16x1024xf32, #tpu.memory_space<hbm>>
    tpu.wait_dma2 semaphore(%arg22 : memref<!tpu.dma_semaphore, #tpu.memory_space<semaphore_mem>>) src(%arg10 : memref<16x1024xf32, #tpu.memory_space<vmem>>) dst(%dma_wait3A_206 : memref<16x1024xf32, #tpu.memory_space<hbm>>)
    %dma_wait3A_207 = arith.constant 0 : i32
    %dma_wait3A_208 = arith.constant 0 : i32
    %dma_wait3A_209 = tpu.memref_slice %arg4[%dma_wait3A_207, %dma_wait3A_208] : memref<4096x1024xf32, #tpu.memory_space<hbm>> -> memref<16x1024xf32, #tpu.memory_space<hbm>>
    %dma_wait3A_210 = arith.constant 0 : i32
    %dma_wait3A_211 = arith.constant 0 : i32
    %dma_wait3A_212 = tpu.memref_slice %arg4[%dma_wait3A_210, %dma_wait3A_211] : memref<4096x1024xf32, #tpu.memory_space<hbm>> -> memref<16x1024xf32, #tpu.memory_space<hbm>>
    tpu.wait_dma2 semaphore(%arg23 : memref<!tpu.dma_semaphore, #tpu.memory_space<semaphore_mem>>) src(%arg11 : memref<16x1024xf32, #tpu.memory_space<vmem>>) dst(%dma_wait3A_212 : memref<16x1024xf32, #tpu.memory_space<hbm>>)
    %dma_wait3A_213 = arith.constant 0 : i32
    %dma_wait3A_214 = arith.constant 0 : i32
    %dma_wait3A_215 = tpu.memref_slice %arg4[%dma_wait3A_213, %dma_wait3A_214] : memref<4096x1024xf32, #tpu.memory_space<hbm>> -> memref<16x1024xf32, #tpu.memory_space<hbm>>
    %dma_wait3A_216 = arith.constant 0 : i32
    %dma_wait3A_217 = arith.constant 0 : i32
    %dma_wait3A_218 = tpu.memref_slice %arg4[%dma_wait3A_216, %dma_wait3A_217] : memref<4096x1024xf32, #tpu.memory_space<hbm>> -> memref<16x1024xf32, #tpu.memory_space<hbm>>
    tpu.wait_dma2 semaphore(%arg18 : memref<!tpu.dma_semaphore, #tpu.memory_space<semaphore_mem>>) src(%arg6 : memref<16x1024xf32, #tpu.memory_space<vmem>>) dst(%dma_wait3A_218 : memref<16x1024xf32, #tpu.memory_space<hbm>>)
    %dma_wait3A_219 = arith.constant 0 : i32
    %dma_wait3A_220 = arith.constant 0 : i32
    %dma_wait3A_221 = tpu.memref_slice %arg4[%dma_wait3A_219, %dma_wait3A_220] : memref<4096x1024xf32, #tpu.memory_space<hbm>> -> memref<16x1024xf32, #tpu.memory_space<hbm>>
    %dma_wait3A_222 = arith.constant 0 : i32
    %dma_wait3A_223 = arith.constant 0 : i32
    %dma_wait3A_224 = tpu.memref_slice %arg4[%dma_wait3A_222, %dma_wait3A_223] : memref<4096x1024xf32, #tpu.memory_space<hbm>> -> memref<16x1024xf32, #tpu.memory_space<hbm>>
    tpu.wait_dma2 semaphore(%arg19 : memref<!tpu.dma_semaphore, #tpu.memory_space<semaphore_mem>>) src(%arg7 : memref<16x1024xf32, #tpu.memory_space<vmem>>) dst(%dma_wait3A_224 : memref<16x1024xf32, #tpu.memory_space<hbm>>)
    return
  }
}

module attributes {stable_mosaic.version = 14 : i64} {
  func.func @body(%arg0: i32, %arg1: memref<1024x1024xf32, #tpu.memory_space<vmem>>, %arg2: memref<1024x1024xf32, #tpu.memory_space<vmem>>, %arg3: memref<1024x1xi32, #tpu.memory_space<vmem>>, %arg4: memref<3x1024xf32, #tpu.memory_space<vmem>>, %arg5: memref<1x1024xf32, #tpu.memory_space<vmem>>, %arg6: memref<1x1024xf32, #tpu.memory_space<vmem>>, %arg7: memref<1024x1024xf32, #tpu.memory_space<vmem>>) attributes {dimension_semantics = [#tpu.dimension_semantics<arbitrary>], iteration_bounds = array<i64: 4>, scalar_prefetch = 0 : i64, scratch_operands = 0 : i64, tpu.core_type = #tpu.core_type<tc>, window_params = [{transform_indices = @transform_0, window_bounds = array<i64: 1024, 1024>}, {transform_indices = @transform_1, window_bounds = array<i64: 1024, 1024>}, {transform_indices = @transform_2, window_bounds = array<i64: 1024, 1>}, {pipeline_mode = #tpu.pipeline_mode<synchronous>, transform_indices = @transform_3, window_bounds = array<i64: 3, 1024>}, {pipeline_mode = #tpu.pipeline_mode<synchronous>, transform_indices = @transform_4, window_bounds = array<i64: 1, 1024>}, {pipeline_mode = #tpu.pipeline_mode<synchronous>, transform_indices = @transform_5, window_bounds = array<i64: 1, 1024>}, {transform_indices = @transform_6, window_bounds = array<i64: 1024, 1024>}]} {
    %get3A = arith.constant 0 : index
    %get3A_0 = arith.constant 0 : index
    %get3A_1 = vector.load %arg3[%get3A, %get3A_0] : memref<1024x1xi32, #tpu.memory_space<vmem>>, vector<1024x1xi32>
    %iota3A = tpu.iota {dimensions = array<i32: 1>} : vector<1024x3xi32>
    %eq3A = vector.broadcast %get3A_1 : vector<1024x1xi32> to vector<1024x3xi32>
    %eq3A_2 = arith.cmpi eq, %eq3A, %iota3A : vector<1024x3xi32>
    %convert_element_type3A = arith.extui %eq3A_2 : vector<1024x3xi1> to vector<1024x3xi32>
    %convert_element_type3A_3 = arith.sitofp %convert_element_type3A : vector<1024x3xi32> to vector<1024x3xf32>
    %get3A_4 = arith.constant 0 : index
    %get3A_5 = arith.constant 0 : index
    %get3A_6 = vector.load %arg4[%get3A_4, %get3A_5] : memref<3x1024xf32, #tpu.memory_space<vmem>>, vector<3x1024xf32>
    %dot_general3A = arith.constant dense<0.000000e+00> : vector<1024x1024xf32>
    %dot_general3A_7 = tpu.matmul %convert_element_type3A_3, %get3A_6, %dot_general3A {dimension_numbers = #tpu.dot_dimension_numbers<[1], [0], [0], [1], [0, 0, 1, 1], [], []>, transpose_lhs_hint = false} : vector<1024x3xf32>, vector<3x1024xf32>, vector<1024x1024xf32> -> vector<1024x1024xf32>
    %get3A_8 = arith.constant 0 : index
    %get3A_9 = arith.constant 0 : index
    %get3A_10 = vector.load %arg1[%get3A_8, %get3A_9] : memref<1024x1024xf32, #tpu.memory_space<vmem>>, vector<1024x1024xf32>
    %get3A_11 = arith.constant 0 : index
    %get3A_12 = arith.constant 0 : index
    %get3A_13 = vector.load %arg2[%get3A_11, %get3A_12] : memref<1024x1024xf32, #tpu.memory_space<vmem>>, vector<1024x1024xf32>
    %add3A = arith.addf %get3A_10, %get3A_13 : vector<1024x1024xf32>
    %add3A_14 = arith.addf %add3A, %dot_general3A_7 : vector<1024x1024xf32>
    %broadcast_in_dim3A = arith.constant 1.000000e+00 : f32
    %broadcast_in_dim3A_15 = vector.broadcast %broadcast_in_dim3A : f32 to vector<1024x1xf32>
    %dot_general3A_16 = arith.constant dense<0.000000e+00> : vector<1024x1xf32>
    %dot_general3A_17 = tpu.matmul %add3A_14, %broadcast_in_dim3A_15, %dot_general3A_16 {dimension_numbers = #tpu.dot_dimension_numbers<[1], [0], [0], [1], [0, 0, 1, 1], [], []>, transpose_lhs_hint = false} : vector<1024x1024xf32>, vector<1024x1xf32>, vector<1024x1xf32> -> vector<1024x1xf32>
    %mul3A = arith.mulf %add3A_14, %add3A_14 : vector<1024x1024xf32>
    %dot_general3A_18 = arith.constant dense<0.000000e+00> : vector<1024x1xf32>
    %dot_general3A_19 = tpu.matmul %mul3A, %broadcast_in_dim3A_15, %dot_general3A_18 {dimension_numbers = #tpu.dot_dimension_numbers<[1], [0], [0], [1], [0, 0, 1, 1], [], []>, transpose_lhs_hint = false} : vector<1024x1024xf32>, vector<1024x1xf32>, vector<1024x1xf32> -> vector<1024x1xf32>
    %mul3A_20 = arith.constant 9.765625E-4 : f32
    %mul3A_21 = vector.broadcast %mul3A_20 : f32 to vector<1024x1xf32>
    %mul3A_22 = arith.mulf %dot_general3A_17, %mul3A_21 : vector<1024x1xf32>
    %mul3A_23 = arith.constant 9.765625E-4 : f32
    %mul3A_24 = vector.broadcast %mul3A_23 : f32 to vector<1024x1xf32>
    %mul3A_25 = arith.mulf %dot_general3A_19, %mul3A_24 : vector<1024x1xf32>
    %mul3A_26 = arith.mulf %mul3A_22, %mul3A_22 : vector<1024x1xf32>
    %sub3A = arith.subf %mul3A_25, %mul3A_26 : vector<1024x1xf32>
    %add3A_27 = arith.constant 9.99999974E-6 : f32
    %add3A_28 = vector.broadcast %add3A_27 : f32 to vector<1024x1xf32>
    %add3A_29 = arith.addf %sub3A, %add3A_28 : vector<1024x1xf32>
    %rsqrt3A = math.rsqrt %add3A_29 : vector<1024x1xf32>
    %get3A_30 = arith.constant 0 : index
    %get3A_31 = arith.constant 0 : index
    %get3A_32 = vector.load %arg5[%get3A_30, %get3A_31] : memref<1x1024xf32, #tpu.memory_space<vmem>>, vector<1x1024xf32>
    %mul3A_33 = vector.broadcast %rsqrt3A : vector<1024x1xf32> to vector<1024x1024xf32>
    %mul3A_34 = arith.mulf %add3A_14, %mul3A_33 : vector<1024x1024xf32>
    %mul3A_35 = arith.mulf %mul3A_22, %rsqrt3A : vector<1024x1xf32>
    %sub3A_36 = vector.broadcast %mul3A_35 : vector<1024x1xf32> to vector<1024x1024xf32>
    %sub3A_37 = arith.subf %mul3A_34, %sub3A_36 : vector<1024x1024xf32>
    %mul3A_38 = vector.broadcast %get3A_32 : vector<1x1024xf32> to vector<1024x1024xf32>
    %mul3A_39 = arith.mulf %sub3A_37, %mul3A_38 : vector<1024x1024xf32>
    %get3A_40 = arith.constant 0 : index
    %get3A_41 = arith.constant 0 : index
    %get3A_42 = vector.load %arg6[%get3A_40, %get3A_41] : memref<1x1024xf32, #tpu.memory_space<vmem>>, vector<1x1024xf32>
    %add3A_43 = vector.broadcast %get3A_42 : vector<1x1024xf32> to vector<1024x1024xf32>
    %add3A_44 = arith.addf %mul3A_39, %add3A_43 : vector<1024x1024xf32>
    %swap3A = arith.constant 0 : index
    %swap3A_45 = arith.constant 0 : index
    %swap3A_46 = vector.load %arg7[%swap3A, %swap3A_45] : memref<1024x1024xf32, #tpu.memory_space<vmem>>, vector<1024x1024xf32>
    tpu.vector_store %arg7[%swap3A, %swap3A_45], %add3A_44 {strides = array<i32>} : memref<1024x1024xf32, #tpu.memory_space<vmem>>, vector<1024x1024xf32>,
    return
  }
  func.func @transform_0(%arg0: i32) -> (i32, i32) {
    %jit3A = arith.constant 4 : i32
    %eq3A = arith.constant 0 : i32
    %eq3A_0 = arith.cmpi eq, %jit3A, %eq3A : i32
    %jit3A_1 = arith.constant 1 : i32
    %select_n3A = arith.select %eq3A_0, %jit3A_1, %jit3A : i32
    %rem3A = arith.remsi %arg0, %select_n3A : i32
    %ne3A = arith.constant 0 : i32
    %ne3A_2 = arith.cmpi ne, %rem3A, %ne3A : i32
    %lt3A = arith.constant 0 : i32
    %lt3A_3 = arith.cmpi slt, %rem3A, %lt3A : i32
    %lt3A_4 = arith.constant 0 : i32
    %lt3A_5 = arith.cmpi slt, %select_n3A, %lt3A_4 : i32
    %ne3A_6 = arith.xori %lt3A_3, %lt3A_5 : i1
    %and3A = arith.andi %ne3A_6, %ne3A_2 : i1
    %add3A = arith.addi %rem3A, %select_n3A : i32
    %select_n3A_7 = arith.select %and3A, %add3A, %rem3A : i32
    %mul3A = arith.constant 1 : i32
    %mul3A_8 = arith.muli %select_n3A_7, %mul3A : i32
    %jit3A_9 = arith.constant 4 : i32
    %div3A = arith.divsi %arg0, %jit3A_9 : i32
    %sign3A = arith.constant 0 : i32
    %sign3A_10 = arith.cmpi sgt, %arg0, %sign3A : i32
    %sign3A_11 = arith.extui %sign3A_10 : i1 to i32
    %sign3A_12 = arith.constant 0 : i32
    %sign3A_13 = arith.cmpi slt, %arg0, %sign3A_12 : i32
    %sign3A_14 = arith.extui %sign3A_13 : i1 to i32
    %sign3A_15 = arith.subi %sign3A_11, %sign3A_14 : i32
    %sign3A_16 = arith.constant 0 : i32
    %sign3A_17 = arith.cmpi sgt, %jit3A_9, %sign3A_16 : i32
    %sign3A_18 = arith.extui %sign3A_17 : i1 to i32
    %sign3A_19 = arith.constant 0 : i32
    %sign3A_20 = arith.cmpi slt, %jit3A_9, %sign3A_19 : i32
    %sign3A_21 = arith.extui %sign3A_20 : i1 to i32
    %sign3A_22 = arith.subi %sign3A_18, %sign3A_21 : i32
    %ne3A_23 = arith.cmpi ne, %sign3A_15, %sign3A_22 : i32
    %rem3A_24 = arith.remsi %arg0, %jit3A_9 : i32
    %ne3A_25 = arith.constant 0 : i32
    %ne3A_26 = arith.cmpi ne, %rem3A_24, %ne3A_25 : i32
    %and3A_27 = arith.andi %ne3A_23, %ne3A_26 : i1
    %sub3A = arith.constant 1 : i32
    %sub3A_28 = arith.subi %div3A, %sub3A : i32
    %select_n3A_29 = arith.select %and3A_27, %sub3A_28, %div3A : i32
    %add3A_30 = arith.addi %mul3A_8, %select_n3A_29 : i32
    %c0_i32 = arith.constant 0 : i32
    %c0_i32_31 = arith.constant 0 : i32
    return %add3A_30, %c0_i32 : i32, i32
  }
  func.func @transform_1(%arg0: i32) -> (i32, i32) {
    %jit3A = arith.constant 4 : i32
    %div3A = arith.divsi %arg0, %jit3A : i32
    %sign3A = arith.constant 0 : i32
    %sign3A_0 = arith.cmpi sgt, %arg0, %sign3A : i32
    %sign3A_1 = arith.extui %sign3A_0 : i1 to i32
    %sign3A_2 = arith.constant 0 : i32
    %sign3A_3 = arith.cmpi slt, %arg0, %sign3A_2 : i32
    %sign3A_4 = arith.extui %sign3A_3 : i1 to i32
    %sign3A_5 = arith.subi %sign3A_1, %sign3A_4 : i32
    %sign3A_6 = arith.constant 0 : i32
    %sign3A_7 = arith.cmpi sgt, %jit3A, %sign3A_6 : i32
    %sign3A_8 = arith.extui %sign3A_7 : i1 to i32
    %sign3A_9 = arith.constant 0 : i32
    %sign3A_10 = arith.cmpi slt, %jit3A, %sign3A_9 : i32
    %sign3A_11 = arith.extui %sign3A_10 : i1 to i32
    %sign3A_12 = arith.subi %sign3A_8, %sign3A_11 : i32
    %ne3A = arith.cmpi ne, %sign3A_5, %sign3A_12 : i32
    %rem3A = arith.remsi %arg0, %jit3A : i32
    %ne3A_13 = arith.constant 0 : i32
    %ne3A_14 = arith.cmpi ne, %rem3A, %ne3A_13 : i32
    %and3A = arith.andi %ne3A, %ne3A_14 : i1
    %sub3A = arith.constant 1 : i32
    %sub3A_15 = arith.subi %div3A, %sub3A : i32
    %select_n3A = arith.select %and3A, %sub3A_15, %div3A : i32
    %add3A = arith.constant 0 : i32
    %add3A_16 = arith.addi %add3A, %select_n3A : i32
    %c0_i32 = arith.constant 0 : i32
    %c0_i32_17 = arith.constant 0 : i32
    return %add3A_16, %c0_i32 : i32, i32
  }
  func.func @transform_2(%arg0: i32) -> (i32, i32) {
    %jit3A = arith.constant 4 : i32
    %eq3A = arith.constant 0 : i32
    %eq3A_0 = arith.cmpi eq, %jit3A, %eq3A : i32
    %jit3A_1 = arith.constant 1 : i32
    %select_n3A = arith.select %eq3A_0, %jit3A_1, %jit3A : i32
    %rem3A = arith.remsi %arg0, %select_n3A : i32
    %ne3A = arith.constant 0 : i32
    %ne3A_2 = arith.cmpi ne, %rem3A, %ne3A : i32
    %lt3A = arith.constant 0 : i32
    %lt3A_3 = arith.cmpi slt, %rem3A, %lt3A : i32
    %lt3A_4 = arith.constant 0 : i32
    %lt3A_5 = arith.cmpi slt, %select_n3A, %lt3A_4 : i32
    %ne3A_6 = arith.xori %lt3A_3, %lt3A_5 : i1
    %and3A = arith.andi %ne3A_6, %ne3A_2 : i1
    %add3A = arith.addi %rem3A, %select_n3A : i32
    %select_n3A_7 = arith.select %and3A, %add3A, %rem3A : i32
    %mul3A = arith.constant 2 : i32
    %mul3A_8 = arith.muli %select_n3A_7, %mul3A : i32
    %add3A_9 = arith.constant 0 : i32
    %add3A_10 = arith.addi %mul3A_8, %add3A_9 : i32
    %jit3A_11 = arith.constant 4 : i32
    %div3A = arith.divsi %arg0, %jit3A_11 : i32
    %sign3A = arith.constant 0 : i32
    %sign3A_12 = arith.cmpi sgt, %arg0, %sign3A : i32
    %sign3A_13 = arith.extui %sign3A_12 : i1 to i32
    %sign3A_14 = arith.constant 0 : i32
    %sign3A_15 = arith.cmpi slt, %arg0, %sign3A_14 : i32
    %sign3A_16 = arith.extui %sign3A_15 : i1 to i32
    %sign3A_17 = arith.subi %sign3A_13, %sign3A_16 : i32
    %sign3A_18 = arith.constant 0 : i32
    %sign3A_19 = arith.cmpi sgt, %jit3A_11, %sign3A_18 : i32
    %sign3A_20 = arith.extui %sign3A_19 : i1 to i32
    %sign3A_21 = arith.constant 0 : i32
    %sign3A_22 = arith.cmpi slt, %jit3A_11, %sign3A_21 : i32
    %sign3A_23 = arith.extui %sign3A_22 : i1 to i32
    %sign3A_24 = arith.subi %sign3A_20, %sign3A_23 : i32
    %ne3A_25 = arith.cmpi ne, %sign3A_17, %sign3A_24 : i32
    %rem3A_26 = arith.remsi %arg0, %jit3A_11 : i32
    %ne3A_27 = arith.constant 0 : i32
    %ne3A_28 = arith.cmpi ne, %rem3A_26, %ne3A_27 : i32
    %and3A_29 = arith.andi %ne3A_25, %ne3A_28 : i1
    %sub3A = arith.constant 1 : i32
    %sub3A_30 = arith.subi %div3A, %sub3A : i32
    %select_n3A_31 = arith.select %and3A_29, %sub3A_30, %div3A : i32
    %add3A_32 = arith.addi %add3A_10, %select_n3A_31 : i32
    %c0_i32 = arith.constant 0 : i32
    %c0_i32_33 = arith.constant 0 : i32
    return %add3A_32, %c0_i32 : i32, i32
  }
  func.func @transform_3(%arg0: i32) -> (i32, i32) {
    %c0_i32 = arith.constant 0 : i32
    %c0_i32_0 = arith.constant 0 : i32
    %c0_i32_1 = arith.constant 0 : i32
    return %c0_i32, %c0_i32_0 : i32, i32
  }
  func.func @transform_4(%arg0: i32) -> (i32, i32) {
    %c0_i32 = arith.constant 0 : i32
    %c0_i32_0 = arith.constant 0 : i32
    %c0_i32_1 = arith.constant 0 : i32
    return %c0_i32, %c0_i32_0 : i32, i32
  }
  func.func @transform_5(%arg0: i32) -> (i32, i32) {
    %c0_i32 = arith.constant 0 : i32
    %c0_i32_0 = arith.constant 0 : i32
    %c0_i32_1 = arith.constant 0 : i32
    return %c0_i32, %c0_i32_0 : i32, i32
  }
  func.func @transform_6(%arg0: i32) -> (i32, i32) {
    %jit3A = arith.constant 4 : i32
    %eq3A = arith.constant 0 : i32
    %eq3A_0 = arith.cmpi eq, %jit3A, %eq3A : i32
    %jit3A_1 = arith.constant 1 : i32
    %select_n3A = arith.select %eq3A_0, %jit3A_1, %jit3A : i32
    %rem3A = arith.remsi %arg0, %select_n3A : i32
    %ne3A = arith.constant 0 : i32
    %ne3A_2 = arith.cmpi ne, %rem3A, %ne3A : i32
    %lt3A = arith.constant 0 : i32
    %lt3A_3 = arith.cmpi slt, %rem3A, %lt3A : i32
    %lt3A_4 = arith.constant 0 : i32
    %lt3A_5 = arith.cmpi slt, %select_n3A, %lt3A_4 : i32
    %ne3A_6 = arith.xori %lt3A_3, %lt3A_5 : i1
    %and3A = arith.andi %ne3A_6, %ne3A_2 : i1
    %add3A = arith.addi %rem3A, %select_n3A : i32
    %select_n3A_7 = arith.select %and3A, %add3A, %rem3A : i32
    %mul3A = arith.constant 2 : i32
    %mul3A_8 = arith.muli %select_n3A_7, %mul3A : i32
    %add3A_9 = arith.constant 0 : i32
    %add3A_10 = arith.addi %mul3A_8, %add3A_9 : i32
    %jit3A_11 = arith.constant 4 : i32
    %div3A = arith.divsi %arg0, %jit3A_11 : i32
    %sign3A = arith.constant 0 : i32
    %sign3A_12 = arith.cmpi sgt, %arg0, %sign3A : i32
    %sign3A_13 = arith.extui %sign3A_12 : i1 to i32
    %sign3A_14 = arith.constant 0 : i32
    %sign3A_15 = arith.cmpi slt, %arg0, %sign3A_14 : i32
    %sign3A_16 = arith.extui %sign3A_15 : i1 to i32
    %sign3A_17 = arith.subi %sign3A_13, %sign3A_16 : i32
    %sign3A_18 = arith.constant 0 : i32
    %sign3A_19 = arith.cmpi sgt, %jit3A_11, %sign3A_18 : i32
    %sign3A_20 = arith.extui %sign3A_19 : i1 to i32
    %sign3A_21 = arith.constant 0 : i32
    %sign3A_22 = arith.cmpi slt, %jit3A_11, %sign3A_21 : i32
    %sign3A_23 = arith.extui %sign3A_22 : i1 to i32
    %sign3A_24 = arith.subi %sign3A_20, %sign3A_23 : i32
    %ne3A_25 = arith.cmpi ne, %sign3A_17, %sign3A_24 : i32
    %rem3A_26 = arith.remsi %arg0, %jit3A_11 : i32
    %ne3A_27 = arith.constant 0 : i32
    %ne3A_28 = arith.cmpi ne, %rem3A_26, %ne3A_27 : i32
    %and3A_29 = arith.andi %ne3A_25, %ne3A_28 : i1
    %sub3A = arith.constant 1 : i32
    %sub3A_30 = arith.subi %div3A, %sub3A : i32
    %select_n3A_31 = arith.select %and3A_29, %sub3A_30, %div3A : i32
    %add3A_32 = arith.addi %add3A_10, %select_n3A_31 : i32
    %c0_i32 = arith.constant 0 : i32
    %c0_i32_33 = arith.constant 0 : i32
    return %add3A_32, %c0_i32 : i32, i32
  }
}

module attributes {stable_mosaic.version = 14 : i64} {
  func.func @body(%arg0: i32, %arg1: memref<8192x1024xf32, #tpu.memory_space<any>>, %arg2: memref<1024x1024xf32, #tpu.memory_space<vmem>>, %arg3: memref<1024x1024xf32, #tpu.memory_space<vmem>>, %arg4: memref<1024x1xi32, #tpu.memory_space<vmem>>, %arg5: memref<3x1024xf32, #tpu.memory_space<vmem>>, %arg6: memref<1x1024xf32, #tpu.memory_space<vmem>>, %arg7: memref<1x1024xf32, #tpu.memory_space<vmem>>, %arg8: memref<1024x1024xf32, #tpu.memory_space<vmem>>) attributes {dimension_semantics = [#tpu.dimension_semantics<arbitrary>], iteration_bounds = array<i64: 4>, scalar_prefetch = 0 : i64, scratch_operands = 0 : i64, tpu.core_type = #tpu.core_type<tc>, window_params = [{}, {transform_indices = @transform_1, window_bounds = array<i64: 1024, 1024>}, {transform_indices = @transform_2, window_bounds = array<i64: 1024, 1024>}, {transform_indices = @transform_3, window_bounds = array<i64: 1024, 1>}, {pipeline_mode = #tpu.pipeline_mode<synchronous>, transform_indices = @transform_4, window_bounds = array<i64: 3, 1024>}, {pipeline_mode = #tpu.pipeline_mode<synchronous>, transform_indices = @transform_5, window_bounds = array<i64: 1, 1024>}, {pipeline_mode = #tpu.pipeline_mode<synchronous>, transform_indices = @transform_6, window_bounds = array<i64: 1, 1024>}, {transform_indices = @transform_7, window_bounds = array<i64: 1024, 1024>}]} {
    %get3A = arith.constant 0 : index
    %get3A_0 = arith.constant 0 : index
    %get3A_1 = vector.load %arg4[%get3A, %get3A_0] : memref<1024x1xi32, #tpu.memory_space<vmem>>, vector<1024x1xi32>
    %iota3A = tpu.iota {dimensions = array<i32: 1>} : vector<1024x3xi32>
    %eq3A = vector.broadcast %get3A_1 : vector<1024x1xi32> to vector<1024x3xi32>
    %eq3A_2 = arith.cmpi eq, %eq3A, %iota3A : vector<1024x3xi32>
    %convert_element_type3A = arith.extui %eq3A_2 : vector<1024x3xi1> to vector<1024x3xi32>
    %convert_element_type3A_3 = arith.sitofp %convert_element_type3A : vector<1024x3xi32> to vector<1024x3xf32>
    %get3A_4 = arith.constant 0 : index
    %get3A_5 = arith.constant 0 : index
    %get3A_6 = vector.load %arg5[%get3A_4, %get3A_5] : memref<3x1024xf32, #tpu.memory_space<vmem>>, vector<3x1024xf32>
    %dot_general3A = arith.constant dense<0.000000e+00> : vector<1024x1024xf32>
    %dot_general3A_7 = tpu.matmul %convert_element_type3A_3, %get3A_6, %dot_general3A {dimension_numbers = #tpu.dot_dimension_numbers<[1], [0], [0], [1], [0, 0, 1, 1], [], []>, transpose_lhs_hint = false} : vector<1024x3xf32>, vector<3x1024xf32>, vector<1024x1024xf32> -> vector<1024x1024xf32>
    %get3A_8 = arith.constant 0 : index
    %get3A_9 = arith.constant 0 : index
    %get3A_10 = vector.load %arg2[%get3A_8, %get3A_9] : memref<1024x1024xf32, #tpu.memory_space<vmem>>, vector<1024x1024xf32>
    %get3A_11 = arith.constant 0 : index
    %get3A_12 = arith.constant 0 : index
    %get3A_13 = vector.load %arg3[%get3A_11, %get3A_12] : memref<1024x1024xf32, #tpu.memory_space<vmem>>, vector<1024x1024xf32>
    %add3A = arith.addf %get3A_10, %get3A_13 : vector<1024x1024xf32>
    %add3A_14 = arith.addf %add3A, %dot_general3A_7 : vector<1024x1024xf32>
    %broadcast_in_dim3A = arith.constant 1.000000e+00 : f32
    %broadcast_in_dim3A_15 = vector.broadcast %broadcast_in_dim3A : f32 to vector<1024x1xf32>
    %dot_general3A_16 = arith.constant dense<0.000000e+00> : vector<1024x1xf32>
    %dot_general3A_17 = tpu.matmul %add3A_14, %broadcast_in_dim3A_15, %dot_general3A_16 {dimension_numbers = #tpu.dot_dimension_numbers<[1], [0], [0], [1], [0, 0, 1, 1], [], []>, transpose_lhs_hint = false} : vector<1024x1024xf32>, vector<1024x1xf32>, vector<1024x1xf32> -> vector<1024x1xf32>
    %mul3A = arith.mulf %add3A_14, %add3A_14 : vector<1024x1024xf32>
    %dot_general3A_18 = arith.constant dense<0.000000e+00> : vector<1024x1xf32>
    %dot_general3A_19 = tpu.matmul %mul3A, %broadcast_in_dim3A_15, %dot_general3A_18 {dimension_numbers = #tpu.dot_dimension_numbers<[1], [0], [0], [1], [0, 0, 1, 1], [], []>, transpose_lhs_hint = false} : vector<1024x1024xf32>, vector<1024x1xf32>, vector<1024x1xf32> -> vector<1024x1xf32>
    %mul3A_20 = arith.constant 9.765625E-4 : f32
    %mul3A_21 = vector.broadcast %mul3A_20 : f32 to vector<1024x1xf32>
    %mul3A_22 = arith.mulf %dot_general3A_17, %mul3A_21 : vector<1024x1xf32>
    %mul3A_23 = arith.constant 9.765625E-4 : f32
    %mul3A_24 = vector.broadcast %mul3A_23 : f32 to vector<1024x1xf32>
    %mul3A_25 = arith.mulf %dot_general3A_19, %mul3A_24 : vector<1024x1xf32>
    %mul3A_26 = arith.mulf %mul3A_22, %mul3A_22 : vector<1024x1xf32>
    %sub3A = arith.subf %mul3A_25, %mul3A_26 : vector<1024x1xf32>
    %add3A_27 = arith.constant 9.99999974E-6 : f32
    %add3A_28 = vector.broadcast %add3A_27 : f32 to vector<1024x1xf32>
    %add3A_29 = arith.addf %sub3A, %add3A_28 : vector<1024x1xf32>
    %rsqrt3A = math.rsqrt %add3A_29 : vector<1024x1xf32>
    %get3A_30 = arith.constant 0 : index
    %get3A_31 = arith.constant 0 : index
    %get3A_32 = vector.load %arg6[%get3A_30, %get3A_31] : memref<1x1024xf32, #tpu.memory_space<vmem>>, vector<1x1024xf32>
    %mul3A_33 = vector.broadcast %rsqrt3A : vector<1024x1xf32> to vector<1024x1024xf32>
    %mul3A_34 = arith.mulf %add3A_14, %mul3A_33 : vector<1024x1024xf32>
    %mul3A_35 = arith.mulf %mul3A_22, %rsqrt3A : vector<1024x1xf32>
    %sub3A_36 = vector.broadcast %mul3A_35 : vector<1024x1xf32> to vector<1024x1024xf32>
    %sub3A_37 = arith.subf %mul3A_34, %sub3A_36 : vector<1024x1024xf32>
    %mul3A_38 = vector.broadcast %get3A_32 : vector<1x1024xf32> to vector<1024x1024xf32>
    %mul3A_39 = arith.mulf %sub3A_37, %mul3A_38 : vector<1024x1024xf32>
    %get3A_40 = arith.constant 0 : index
    %get3A_41 = arith.constant 0 : index
    %get3A_42 = vector.load %arg7[%get3A_40, %get3A_41] : memref<1x1024xf32, #tpu.memory_space<vmem>>, vector<1x1024xf32>
    %add3A_43 = vector.broadcast %get3A_42 : vector<1x1024xf32> to vector<1024x1024xf32>
    %add3A_44 = arith.addf %mul3A_39, %add3A_43 : vector<1024x1024xf32>
    %swap3A = arith.constant 0 : index
    %swap3A_45 = arith.constant 0 : index
    %swap3A_46 = vector.load %arg8[%swap3A, %swap3A_45] : memref<1024x1024xf32, #tpu.memory_space<vmem>>, vector<1024x1024xf32>
    tpu.vector_store %arg8[%swap3A, %swap3A_45], %add3A_44 {strides = array<i32>} : memref<1024x1024xf32, #tpu.memory_space<vmem>>, vector<1024x1024xf32>,
    return
  }
  func.func @transform_1(%arg0: i32) -> (i32, i32) {
    %jit3A = arith.constant 4 : i32
    %eq3A = arith.constant 0 : i32
    %eq3A_0 = arith.cmpi eq, %jit3A, %eq3A : i32
    %jit3A_1 = arith.constant 1 : i32
    %select_n3A = arith.select %eq3A_0, %jit3A_1, %jit3A : i32
    %rem3A = arith.remsi %arg0, %select_n3A : i32
    %ne3A = arith.constant 0 : i32
    %ne3A_2 = arith.cmpi ne, %rem3A, %ne3A : i32
    %lt3A = arith.constant 0 : i32
    %lt3A_3 = arith.cmpi slt, %rem3A, %lt3A : i32
    %lt3A_4 = arith.constant 0 : i32
    %lt3A_5 = arith.cmpi slt, %select_n3A, %lt3A_4 : i32
    %ne3A_6 = arith.xori %lt3A_3, %lt3A_5 : i1
    %and3A = arith.andi %ne3A_6, %ne3A_2 : i1
    %add3A = arith.addi %rem3A, %select_n3A : i32
    %select_n3A_7 = arith.select %and3A, %add3A, %rem3A : i32
    %mul3A = arith.constant 1 : i32
    %mul3A_8 = arith.muli %select_n3A_7, %mul3A : i32
    %jit3A_9 = arith.constant 4 : i32
    %div3A = arith.divsi %arg0, %jit3A_9 : i32
    %sign3A = arith.constant 0 : i32
    %sign3A_10 = arith.cmpi sgt, %arg0, %sign3A : i32
    %sign3A_11 = arith.extui %sign3A_10 : i1 to i32
    %sign3A_12 = arith.constant 0 : i32
    %sign3A_13 = arith.cmpi slt, %arg0, %sign3A_12 : i32
    %sign3A_14 = arith.extui %sign3A_13 : i1 to i32
    %sign3A_15 = arith.subi %sign3A_11, %sign3A_14 : i32
    %sign3A_16 = arith.constant 0 : i32
    %sign3A_17 = arith.cmpi sgt, %jit3A_9, %sign3A_16 : i32
    %sign3A_18 = arith.extui %sign3A_17 : i1 to i32
    %sign3A_19 = arith.constant 0 : i32
    %sign3A_20 = arith.cmpi slt, %jit3A_9, %sign3A_19 : i32
    %sign3A_21 = arith.extui %sign3A_20 : i1 to i32
    %sign3A_22 = arith.subi %sign3A_18, %sign3A_21 : i32
    %ne3A_23 = arith.cmpi ne, %sign3A_15, %sign3A_22 : i32
    %rem3A_24 = arith.remsi %arg0, %jit3A_9 : i32
    %ne3A_25 = arith.constant 0 : i32
    %ne3A_26 = arith.cmpi ne, %rem3A_24, %ne3A_25 : i32
    %and3A_27 = arith.andi %ne3A_23, %ne3A_26 : i1
    %sub3A = arith.constant 1 : i32
    %sub3A_28 = arith.subi %div3A, %sub3A : i32
    %select_n3A_29 = arith.select %and3A_27, %sub3A_28, %div3A : i32
    %add3A_30 = arith.addi %mul3A_8, %select_n3A_29 : i32
    %c0_i32 = arith.constant 0 : i32
    %c0_i32_31 = arith.constant 0 : i32
    return %add3A_30, %c0_i32 : i32, i32
  }
  func.func @transform_2(%arg0: i32) -> (i32, i32) {
    %jit3A = arith.constant 4 : i32
    %div3A = arith.divsi %arg0, %jit3A : i32
    %sign3A = arith.constant 0 : i32
    %sign3A_0 = arith.cmpi sgt, %arg0, %sign3A : i32
    %sign3A_1 = arith.extui %sign3A_0 : i1 to i32
    %sign3A_2 = arith.constant 0 : i32
    %sign3A_3 = arith.cmpi slt, %arg0, %sign3A_2 : i32
    %sign3A_4 = arith.extui %sign3A_3 : i1 to i32
    %sign3A_5 = arith.subi %sign3A_1, %sign3A_4 : i32
    %sign3A_6 = arith.constant 0 : i32
    %sign3A_7 = arith.cmpi sgt, %jit3A, %sign3A_6 : i32
    %sign3A_8 = arith.extui %sign3A_7 : i1 to i32
    %sign3A_9 = arith.constant 0 : i32
    %sign3A_10 = arith.cmpi slt, %jit3A, %sign3A_9 : i32
    %sign3A_11 = arith.extui %sign3A_10 : i1 to i32
    %sign3A_12 = arith.subi %sign3A_8, %sign3A_11 : i32
    %ne3A = arith.cmpi ne, %sign3A_5, %sign3A_12 : i32
    %rem3A = arith.remsi %arg0, %jit3A : i32
    %ne3A_13 = arith.constant 0 : i32
    %ne3A_14 = arith.cmpi ne, %rem3A, %ne3A_13 : i32
    %and3A = arith.andi %ne3A, %ne3A_14 : i1
    %sub3A = arith.constant 1 : i32
    %sub3A_15 = arith.subi %div3A, %sub3A : i32
    %select_n3A = arith.select %and3A, %sub3A_15, %div3A : i32
    %add3A = arith.constant 1 : i32
    %add3A_16 = arith.addi %add3A, %select_n3A : i32
    %c0_i32 = arith.constant 0 : i32
    %c0_i32_17 = arith.constant 0 : i32
    return %add3A_16, %c0_i32 : i32, i32
  }
  func.func @transform_3(%arg0: i32) -> (i32, i32) {
    %jit3A = arith.constant 4 : i32
    %eq3A = arith.constant 0 : i32
    %eq3A_0 = arith.cmpi eq, %jit3A, %eq3A : i32
    %jit3A_1 = arith.constant 1 : i32
    %select_n3A = arith.select %eq3A_0, %jit3A_1, %jit3A : i32
    %rem3A = arith.remsi %arg0, %select_n3A : i32
    %ne3A = arith.constant 0 : i32
    %ne3A_2 = arith.cmpi ne, %rem3A, %ne3A : i32
    %lt3A = arith.constant 0 : i32
    %lt3A_3 = arith.cmpi slt, %rem3A, %lt3A : i32
    %lt3A_4 = arith.constant 0 : i32
    %lt3A_5 = arith.cmpi slt, %select_n3A, %lt3A_4 : i32
    %ne3A_6 = arith.xori %lt3A_3, %lt3A_5 : i1
    %and3A = arith.andi %ne3A_6, %ne3A_2 : i1
    %add3A = arith.addi %rem3A, %select_n3A : i32
    %select_n3A_7 = arith.select %and3A, %add3A, %rem3A : i32
    %mul3A = arith.constant 2 : i32
    %mul3A_8 = arith.muli %select_n3A_7, %mul3A : i32
    %add3A_9 = arith.constant 1 : i32
    %add3A_10 = arith.addi %mul3A_8, %add3A_9 : i32
    %jit3A_11 = arith.constant 4 : i32
    %div3A = arith.divsi %arg0, %jit3A_11 : i32
    %sign3A = arith.constant 0 : i32
    %sign3A_12 = arith.cmpi sgt, %arg0, %sign3A : i32
    %sign3A_13 = arith.extui %sign3A_12 : i1 to i32
    %sign3A_14 = arith.constant 0 : i32
    %sign3A_15 = arith.cmpi slt, %arg0, %sign3A_14 : i32
    %sign3A_16 = arith.extui %sign3A_15 : i1 to i32
    %sign3A_17 = arith.subi %sign3A_13, %sign3A_16 : i32
    %sign3A_18 = arith.constant 0 : i32
    %sign3A_19 = arith.cmpi sgt, %jit3A_11, %sign3A_18 : i32
    %sign3A_20 = arith.extui %sign3A_19 : i1 to i32
    %sign3A_21 = arith.constant 0 : i32
    %sign3A_22 = arith.cmpi slt, %jit3A_11, %sign3A_21 : i32
    %sign3A_23 = arith.extui %sign3A_22 : i1 to i32
    %sign3A_24 = arith.subi %sign3A_20, %sign3A_23 : i32
    %ne3A_25 = arith.cmpi ne, %sign3A_17, %sign3A_24 : i32
    %rem3A_26 = arith.remsi %arg0, %jit3A_11 : i32
    %ne3A_27 = arith.constant 0 : i32
    %ne3A_28 = arith.cmpi ne, %rem3A_26, %ne3A_27 : i32
    %and3A_29 = arith.andi %ne3A_25, %ne3A_28 : i1
    %sub3A = arith.constant 1 : i32
    %sub3A_30 = arith.subi %div3A, %sub3A : i32
    %select_n3A_31 = arith.select %and3A_29, %sub3A_30, %div3A : i32
    %add3A_32 = arith.addi %add3A_10, %select_n3A_31 : i32
    %c0_i32 = arith.constant 0 : i32
    %c0_i32_33 = arith.constant 0 : i32
    return %add3A_32, %c0_i32 : i32, i32
  }
  func.func @transform_4(%arg0: i32) -> (i32, i32) {
    %c0_i32 = arith.constant 0 : i32
    %c0_i32_0 = arith.constant 0 : i32
    %c0_i32_1 = arith.constant 0 : i32
    return %c0_i32, %c0_i32_0 : i32, i32
  }
  func.func @transform_5(%arg0: i32) -> (i32, i32) {
    %c0_i32 = arith.constant 0 : i32
    %c0_i32_0 = arith.constant 0 : i32
    %c0_i32_1 = arith.constant 0 : i32
    return %c0_i32, %c0_i32_0 : i32, i32
  }
  func.func @transform_6(%arg0: i32) -> (i32, i32) {
    %c0_i32 = arith.constant 0 : i32
    %c0_i32_0 = arith.constant 0 : i32
    %c0_i32_1 = arith.constant 0 : i32
    return %c0_i32, %c0_i32_0 : i32, i32
  }
  func.func @transform_7(%arg0: i32) -> (i32, i32) {
    %jit3A = arith.constant 4 : i32
    %eq3A = arith.constant 0 : i32
    %eq3A_0 = arith.cmpi eq, %jit3A, %eq3A : i32
    %jit3A_1 = arith.constant 1 : i32
    %select_n3A = arith.select %eq3A_0, %jit3A_1, %jit3A : i32
    %rem3A = arith.remsi %arg0, %select_n3A : i32
    %ne3A = arith.constant 0 : i32
    %ne3A_2 = arith.cmpi ne, %rem3A, %ne3A : i32
    %lt3A = arith.constant 0 : i32
    %lt3A_3 = arith.cmpi slt, %rem3A, %lt3A : i32
    %lt3A_4 = arith.constant 0 : i32
    %lt3A_5 = arith.cmpi slt, %select_n3A, %lt3A_4 : i32
    %ne3A_6 = arith.xori %lt3A_3, %lt3A_5 : i1
    %and3A = arith.andi %ne3A_6, %ne3A_2 : i1
    %add3A = arith.addi %rem3A, %select_n3A : i32
    %select_n3A_7 = arith.select %and3A, %add3A, %rem3A : i32
    %mul3A = arith.constant 2 : i32
    %mul3A_8 = arith.muli %select_n3A_7, %mul3A : i32
    %add3A_9 = arith.constant 1 : i32
    %add3A_10 = arith.addi %mul3A_8, %add3A_9 : i32
    %jit3A_11 = arith.constant 4 : i32
    %div3A = arith.divsi %arg0, %jit3A_11 : i32
    %sign3A = arith.constant 0 : i32
    %sign3A_12 = arith.cmpi sgt, %arg0, %sign3A : i32
    %sign3A_13 = arith.extui %sign3A_12 : i1 to i32
    %sign3A_14 = arith.constant 0 : i32
    %sign3A_15 = arith.cmpi slt, %arg0, %sign3A_14 : i32
    %sign3A_16 = arith.extui %sign3A_15 : i1 to i32
    %sign3A_17 = arith.subi %sign3A_13, %sign3A_16 : i32
    %sign3A_18 = arith.constant 0 : i32
    %sign3A_19 = arith.cmpi sgt, %jit3A_11, %sign3A_18 : i32
    %sign3A_20 = arith.extui %sign3A_19 : i1 to i32
    %sign3A_21 = arith.constant 0 : i32
    %sign3A_22 = arith.cmpi slt, %jit3A_11, %sign3A_21 : i32
    %sign3A_23 = arith.extui %sign3A_22 : i1 to i32
    %sign3A_24 = arith.subi %sign3A_20, %sign3A_23 : i32
    %ne3A_25 = arith.cmpi ne, %sign3A_17, %sign3A_24 : i32
    %rem3A_26 = arith.remsi %arg0, %jit3A_11 : i32
    %ne3A_27 = arith.constant 0 : i32
    %ne3A_28 = arith.cmpi ne, %rem3A_26, %ne3A_27 : i32
    %and3A_29 = arith.andi %ne3A_25, %ne3A_28 : i1
    %sub3A = arith.constant 1 : i32
    %sub3A_30 = arith.subi %div3A, %sub3A : i32
    %select_n3A_31 = arith.select %and3A_29, %sub3A_30, %div3A : i32
    %add3A_32 = arith.addi %add3A_10, %select_n3A_31 : i32
    %c0_i32 = arith.constant 0 : i32
    %c0_i32_33 = arith.constant 0 : i32
    return %add3A_32, %c0_i32 : i32, i32
  }
}

</mosaic_0001>

<sc_bundles>
// kernel: kernel.6.cloned.1.call-start
scs
__scs_entry_jumppad:
0x0: {  	(pc) =	sbr.rel $0x88, $3  }
0x1: {  	(tag) =	ssettag $0x0;
	lr =	simm.s32 $0x1  }
0x2: {  	[smem:$0x3F9A] =	sst lr;
	_ =	strace $0xD0000000  }
0x3: {  	_ = 	snop  }
0x4: {  	_ = 	snop  }
0x5: {  	_ = 	snop  }
0x6: {  	_ = 	snop  }
0x7: {  	_ = 	snop  }
__scs_overlays_trampoline_lowered:
0x8: {  	[smem:$0x3FA9] =	sst s0  }
0x9: {  	[smem:$0x3FAA] =	sst s1  }
0xa: {  	[smem:$0x3FAB] =	sst s2  }
0xb: {  	[smem:$0x3FAC] =	sst s3  }
0xc: {  	[smem:$0x3FAD] =	sst s4  }
0xd: {  	[smem:$0x3FAE] =	sst s5  }
0xe: {  	[smem:$0x3FAF] =	sst s6  }
0xf: {  	[smem:$0x3FB0] =	sst s7  }
0x10: {  	[smem:$0x3FB1] =	sst s8  }
0x11: {  	[smem:$0x3FB2] =	sst s9;
	s0 =	simm.s32 @!p0 $0x0  }
0x12: {  	s1 =	sld [smem:$0x3F98];
	s0 =	simm.s32 @p0 $0x1  }
0x13: {  	[smem:$0x3FB3] =	sst s0;
	s0 =	simm.s32 @!p1 $0x0  }
0x14: {  	s2 =	sld [smem:$0x3F97];
	s0 =	simm.s32 @p1 $0x1  }
0x15: {  	[smem:$0x3FB4] =	sst s0;
	s0 =	simm.s32 @!p2 $0x0  }
0x16: {  	s3 =	sld [smem:$0x3FDB];
	s0 =	simm.s32 @p2 $0x1  }
0x17: {  	s4 =	simm.s32 $0x1BF5;
	[smem:$0x3FB6] =	sst s0  }
0x18: {  	s0 =	sld [smem:$0x3F99];
	_ =	swait.ge [sflag:s4], $0x0  }
0x19: {  	s7 =	sld [smem:$0x3F9A]  }
0x1a: {  	s8 =	sadd.s32 $0xFFFFE003, lr  }
0x1b: {  	s9 =	sadd.s32 $0xFFFFFEF7, lr;
	s5 =	simm.s32 $0xFFFFFFFF;
	p2 =	slt.u32 s8, $0xFFFFF086  }
0x1c: {  	p1 =	slt.u32 s9, $0xF7A;
	s5 =	simm.s32 @!p2 $0x0  }
0x1d: {  	s5 =	simm.s32 @p1 $0x1;
	p0 =	seq.s32 s7, s2  }
0x1e: {  	s7 =	smul.u32 @!p0 $0xF7A, s2;
	p2 =	seq.s32 @!p0 s5, $0x0  }
0x1f: {  	s9 =	smul.u32 $0xF7A, s1;
	s8 =	simm.s32 @!p0 $0x1BF5;
	p2 =	por !p2, p0  }
0x20: {  	[sflag:s8] =	ssyncset.s32 @!p0 $0xFFFFF086;
	s6 =	sadd.s32 @!p0 s3, s7;
	s7 =	simm.s32 @!p0 $0x108  }
0x21: {  	s3 =	sadd.s32 s3, s9;
	s6 =	sadd.s32 @!p0 $0x88, s6;
	s7 =	simm.s32 @p2 $0x1082  }
0x22: {  	[simem:s7], [sflag:s8] =	dma.local @!p0 [hbm:s6], $0xF7A  }
0x23: {  	s9 =	sor.u32 $0xD0000000, s2;
	s6 =	simm.s32 $0x108;
	_ =	swait.ge @!p0 [sflag:s8], $0x0  }
0x24: {  	s3 =	sadd.s32 $0x88, s3;
	s6 =	simm.s32 @!p1 $0x1082;
	[sflag:s4] =	ssyncset.s32 $0xFFFFF086  }
0x25: {  	[simem:s6], [sflag:s4] =	dma.local [hbm:s3], $0xF7A  }
0x26: {  	[smem:$0x3F9A] =	sst s1;
	(tag) =	ssettag s2;
	_ =	strace s9  }
0x27: {  	s1 =	sld [smem:$0x3FAA]  }
0x28: {  	s2 =	sld [smem:$0x3FAB]  }
0x29: {  	s4 =	sld [smem:$0x3FAD]  }
0x2a: {  	p0 =	seq.s32 s5, $0x0;
	s5 =	sld [smem:$0x3FAE]  }
0x2b: {  	s6 =	sld [smem:$0x3FAF]  }
0x2c: {  	s7 =	sld [smem:$0x3FB0]  }
0x2d: {  	s3 =	simm.s32 $0x108;
	s8 =	sld [smem:$0x3FB1]  }
0x2e: {  	s3 =	simm.s32 @!p0 $0x1082;
	s9 =	sld [smem:$0x3FB2]  }
0x2f: {  	lr =	sadd.s32 s0, s3;
	s0 =	sld [smem:$0x3FA9]  }
0x30: {  	s3 =	sld [smem:$0x3FAC]  }
0x31: {  	[smem:$0x3FB5] =	sst s10  }
0x32: {  	s10 =	sld [smem:$0x3FB3];
	_ =	sdelay $0x3  }
0x33: {  	p0 =	seq.s32 s10, $0x1;
	s10 =	sld [smem:$0x3FB5];
	_ =	sdelay $0x3  }
0x34: {  	[smem:$0x3FB5] =	sst s10  }
0x35: {  	s10 =	sld [smem:$0x3FB4];
	_ =	sdelay $0x3  }
0x36: {  	p1 =	seq.s32 s10, $0x1;
	s10 =	sld [smem:$0x3FB5];
	_ =	sdelay $0x3  }
0x37: {  	[smem:$0x3FB5] =	sst s10  }
0x38: {  	s10 =	sld [smem:$0x3FB6]  }
0x39: {  	_ = 	snop;
	(pc) =	sbr.ind lr, $3  }
0x3a: {  	_ = 	snop  }
0x3b: {  	_ = 	snop  }
0x3c: {  	p2 =	seq.s32 s10, $0x1;
	s10 =	sld [smem:$0x3FB5]  }
0x3d: {  	_ =	shalt  }
0x3e: {  	_ =	shalt  }
0x3f: {  	_ =	shalt  }
0x40: {  	_ =	shalt  }
0x41: {  	_ =	shalt  }
0x42: {  	_ =	shalt  }
0x43: {  	_ =	shalt  }
0x44: {  	_ =	shalt  }
0x45: {  	_ =	shalt  }
0x46: {  	_ =	shalt  }
0x47: {  	_ =	shalt  }
0x48: {  	_ =	shalt  }
0x49: {  	_ =	shalt  }
0x4a: {  	_ =	shalt  }
0x4b: {  	_ =	shalt  }
0x4c: {  	_ =	shalt  }
0x4d: {  	_ =	shalt  }
0x4e: {  	_ =	shalt  }
0x4f: {  	_ =	shalt  }
0x50: {  	_ =	shalt  }
0x51: {  	_ =	shalt  }
0x52: {  	_ =	shalt  }
0x53: {  	_ =	shalt  }
0x54: {  	_ =	shalt  }
0x55: {  	_ =	shalt  }
0x56: {  	_ =	shalt  }
0x57: {  	_ =	shalt  }
0x58: {  	_ =	shalt  }
0x59: {  	_ =	shalt  }
0x5a: {  	_ =	shalt  }
0x5b: {  	_ =	shalt  }
0x5c: {  	_ =	shalt  }
0x5d: {  	_ =	shalt  }
0x5e: {  	_ =	shalt  }
0x5f: {  	_ =	shalt  }
0x60: {  	_ =	shalt  }
0x61: {  	_ =	shalt  }
0x62: {  	_ =	shalt  }
0x63: {  	_ =	shalt  }
0x64: {  	_ =	shalt  }
0x65: {  	_ =	shalt  }
0x66: {  	_ =	shalt  }
0x67: {  	_ =	shalt  }
0x68: {  	_ =	shalt  }
0x69: {  	_ =	shalt  }
0x6a: {  	_ =	shalt  }
0x6b: {  	_ =	shalt  }
0x6c: {  	_ =	shalt  }
0x6d: {  	_ =	shalt  }
0x6e: {  	_ =	shalt  }
0x6f: {  	_ =	shalt  }
0x70: {  	_ =	shalt  }
0x71: {  	_ =	shalt  }
0x72: {  	_ =	shalt  }
0x73: {  	_ =	shalt  }
0x74: {  	_ =	shalt  }
0x75: {  	_ =	shalt  }
0x76: {  	_ =	shalt  }
0x77: {  	_ =	shalt  }
0x78: {  	_ =	shalt  }
0x79: {  	_ =	shalt  }
0x7a: {  	_ =	shalt  }
0x7b: {  	_ =	shalt  }
0x7c: {  	_ =	shalt  }
0x7d: {  	_ =	shalt  }
0x7e: {  	_ =	shalt  }
0x7f: {  	_ =	shalt  }
0x80: {  	_ =	shalt  }
0x81: {  	_ =	shalt  }
0x82: {  	_ =	shalt  }
0x83: {  	_ =	shalt  }
0x84: {  	_ =	shalt  }
0x85: {  	_ =	shalt  }
0x86: {  	_ =	shalt  }
0x87: {  	_ =	shalt  }
.Lfunc_end0:
.L_simem_size_0:
called_computation_lowered:
.L_overlay_start_0:
0x88: {  	s2 =	sld [smem:$0x3FD9]  }
0x89: {  	s3 =	sld [smem:$0x3FFE];
	_ =	sdelay $0x1  }
0x8a: {  	s1 =	srdreg.scid  }
0x8b: {  	s0 =	sand.u32 $0x1, s1  }
0x8c: {  	s17 =	sshll.u32 s0, $0xA;
	s2 =	sadd.s32 s3, s2  }
0x8d: {  	s2 =	sadd.s32 s2, s17  }
0x8e: {  	[smem:$0x3FC1] =	sst s2  }
0x8f: {  	_ = 	snop  }
0x90: {  	s2 =	sld [smem:$0x3FC7]  }
0x91: {  	s18 =	sld [smem:$0x3FD0];
	(tm) =	ssettm $0x1  }
0x92: {  	s4 =	sld [smem:$0x3FFB];
	_ =	sdelay $0x3  }
0x93: {  	_ =	strace s4  }
0x94: {  	s4 =	sld [smem:$0x3FFC];
	_ =	sdelay $0x3  }
0x95: {  	_ =	strace s4  }
0x96: {  	s4 =	sld [smem:$0x3FFD];
	_ =	sdelay $0x3  }
0x97: {  	_ =	strace s4  }
0x98: {  	_ =	strace $0x8FFFFFFF  }
0x99: {  	s19 =	sld [smem:$0x3FDB];
	_ =	sdelay $0x1  }
0x9a: {  	s5 =	simm.s32 $_scs_section_size  }
0x9b: {  	s6 =	simm.s32 $_size__tile_overlayer_lowered;
	s7 =	simm.s32 $_tile_overlayer_lowered  }
0x9c: {  	s22 =	simm.s32 $0x1BFF;
	s21 =	sshll.u32 s7, $0x1;
	s4 =	sadd.s32 s5, s19  }
0x9d: {  	s8 =	simm.s32 $0x0;
	s20 =	sshll.u32 s6, $0x1;
	s6 =	sadd.s32 s21, s4  }
0x9e: {  	[timem:s8], [sflag:s22] =	dma.local [hbm:s6], s20  }
0x9f: {  	_ =	swait.ge [sflag:s22], s20  }
0xa0: {  	s5 =	ssub.s32 $0x0, s20;
	[sflag:s22] =	ssyncset.done $0x0  }
0xa1: {  	[sflag:s22] =	ssyncadd.s32 s5;
	_ =	sdelay $0x1  }
0xa2: {  	s23 =	simm.s32 $0x1B8B  }
0xa3: {  	_ =	swait.ge [sflag:s23], $0x1  }
0xa4: {  	[sflag:s23] =	ssyncset.done $0x0  }
0xa5: {  	s25 =	simm.s32 $0x1B8E;
	s24 =	sld [smem:$0x3FFE];
	[sflag:s23] =	ssyncadd.s32 $0xFFFFFFFF  }
0xa6: {  	s26 =	simm.s32 $execute0_lowered;
	[smem:$0x3FD2] =	sst s25  }
0xa7: {  	s6 =	sshll.u32 s26, $0x1;
	_ =	strace $0x80000046;
	[dreg:$0x1] =	wrdreg $0xFFFFFFFF  }
0xa8: {  	s28 =	simm.s32 $_size_execute0_lowered;
	s4 =	sadd.s32 s4, s6;
	[dreg:$0x0] =	wrdreg $0x0  }
0xa9: {  	s6 =	sshll.u32 s28, $0x1;
	[dreg:$0x2] =	wrdreg s4  }
0xaa: {  	[dreg:$0x3] =	wrdreg s6  }
0xab: {  	[dreg:$0x4] =	wrdreg $0xC0  }
0xac: {  	_ =	task [dreg:s8], $0x5FFFF  }
0xad: {  	[dreg:$0x1] =	wrdreg $0xFFFFFFFF  }
0xae: {  	[dreg:$0x0] =	wrdreg $0x60  }
0xaf: {  	[dreg:$0x2] =	wrdreg s18  }
0xb0: {  	[dreg:$0x3] =	wrdreg s2  }
0xb1: {  	[dreg:$0x4] =	wrdreg s24  }
0xb2: {  	[dreg:$0x5] =	wrdreg $0x9  }
0xb3: {  	_ =	task.clear_ibuf [dreg:s8], $0x6FFFF;
	_ =	strace $0x90000046  }
0xb4: {  	s29 =	simm.s32 $0x9;
	_ =	strace $0x80000048  }
0xb5: {  	_ =	swait.ge [sflag:s29], $0x1  }
0xb6: {  	[sflag:s29] =	ssyncadd.s32 $0xFFFFFFFF  }
0xb7: {  	_ =	strace $0x90000048  }
0xb8: {  	_ =	sfence  }
0xb9: {  	s30 =	sld [smem:$0x0];
	_ =	sdelay $0x2  }
0xba: {  	s31 =	sshll.u32 s1, $0xD;
	s1 =	sshrl.u32 s1, $0x2  }
0xbb: {  	s3 =	sand.u32 $0x4000, s31;
	s1 =	sadd.s32 s1, s30  }
0xbc: {  	s0 =	sor.u32 s3, s0;
	s1 =	sshll.u32 s1, $0x11  }
0xbd: {  	s0 =	sor.u32 s1, s0  }
0xbe: {  	s0 =	sadd.s32 $0x8F2B, s0  }
0xbf: {  	[sflag:s0] =	ssyncadd.remote.s32 $0x1  }
0xc0: {  	_ =	sfence.sel $0xFFFF  }
0xc1: {  	[dreg:$0x0] =	wrdreg $0xFFFFFFFF;
	(pc) =	sbr.abs _section_cstart, $3  }
0xc2: {  	[dreg:$0x1] =	wrdreg $0xFFFFFFFF  }
0xc3: {  	_ =	task.clear_ibuf [dreg:s8], $0x2FFFF;
	_ =	strace $0x9FFFFFFF  }
0xc4: {  	(tm) =	ssettm $0x7FFFFFFF  }
0xc5: {  	_ =	shalt  }
tec
execute0_lowered:
.L_overlay_start_1:
0x0: {  	(tag) =	ssettag $0x1  }
0x1: {  	s3 =	stileid.u32;
	s4 =	rddreg [dreg:$0x0]  }
0x2: {  	s2 =	rddreg [dreg:$0x1];
	s1 =	sshll.u32 s3, $0x1;
	s3 =	sshll.u32 s3, $0x8  }
0x3: {  	s5 =	rddreg [dreg:$0x2];
	s6 =	sand.u32 $0xC00, s3;
	s3 =	simm.s32 $0x0  }
0x4: {  	s20 =	simm.s32 $0x8880;
	[smem:$0x7FF] =	sst s3  }
0x5: {  	s21 =	simm.s32 $0x9080;
	_ =	strace $0x80000047;
	[dreg:$0xd] =	wrdreg s20  }
0x6: {  	s22 =	simm.s32 $0x9880;
	[dreg:$0xe] =	wrdreg s21  }
0x7: {  	s23 =	simm.s32 $0xA080;
	[dreg:$0xf] =	wrdreg s22  }
0x8: {  	s24 =	simm.s32 $0xA880;
	[dreg:$0x10] =	wrdreg s23  }
0x9: {  	s25 =	simm.s32 $0xB080;
	[dreg:$0x11] =	wrdreg s24  }
0xa: {  	s7 =	simm.s32 $0xD080;
	[dreg:$0x12] =	wrdreg s25  }
0xb: {  	s8 =	simm.s32 $0xD880;
	[dreg:$0x15] =	wrdreg s7  }
0xc: {  	s9 =	simm.s32 $0xE080;
	[dreg:$0x16] =	wrdreg s8  }
0xd: {  	s10 =	simm.s32 $0xE880;
	[dreg:$0x17] =	wrdreg s9  }
0xe: {  	s0 =	srdreg.scid;
	s11 =	simm.s32 $0xF080;
	[dreg:$0x18] =	wrdreg s10  }
0xf: {  	s0 =	sand.u32 $0x1, s0;
	[dreg:$0x19] =	wrdreg s11;
	s20 =	simm.s32 $0x14880  }
0x10: {  	s1 =	sand.u32 $0x6, s1;
	s21 =	simm.s32 $0x15080;
	[smem:$0x7F7] =	sst s20  }
0x11: {  	s1 =	sor.u32 s0, s1;
	s22 =	simm.s32 $0x15880;
	[smem:$0x7F8] =	sst s21  }
0x12: {  	s0 =	ssub.s32 $0x2, s0;
	s23 =	simm.s32 $0x16080;
	[smem:$0x7F9] =	sst s22  }
0x13: {  	s1 =	sshll.u32 s1, $0x7;
	s24 =	simm.s32 $0x16880;
	[smem:$0x7FA] =	sst s23  }
0x14: {  	s26 =	sshrl.u32 s0, $0x1;
	s25 =	simm.s32 $0x17080;
	[smem:$0x7FB] =	sst s24  }
0x15: {  	s1 =	sor.u32 s6, s1;
	s0 =	ssub.s32 s0, s26;
	[smem:$0x7FC] =	sst s25  }
0x16: {  	s26 =	simm.s32 $0x17880;
	s6 =	sshll.u32 s1, $0x7;
	s1 =	sshrl.u32 s1, $0x3  }
0x17: {  	[smem:$0x7FD] =	sst s26;
	s1 =	sadd.s32 s4, s1  }
0x18: {  	s5 =	sadd.s32 s6, s5;
	s6 =	simm.s32 $0xC880;
	[dreg:$0x4] =	wrdreg s1  }
0x19: {  	s12 =	sadd.s32 $0x1800, s5;
	[dreg:$0x14] =	wrdreg s6  }
0x1a: {  	s30 =	simm.s32 $0x2;
	s13 =	sadd.s32 $0x2000, s5;
	[dreg:$0x5] =	wrdreg s12  }
0x1b: {  	s29 =	simm.s32 $0x3880;
	s14 =	sadd.s32 $0x2800, s5;
	[dreg:$0x6] =	wrdreg s13  }
0x1c: {  	s28 =	simm.s32 $0x4080;
	s15 =	sadd.s32 $0x3000, s5;
	[dreg:$0x7] =	wrdreg s14  }
0x1d: {  	s31 =	simm.s32 $0x4880;
	s16 =	sadd.s32 $0x3800, s5;
	[dreg:$0x8] =	wrdreg s15  }
0x1e: {  	s11 =	simm.s32 $0x8;
	s17 =	sadd.s32 $0x4000, s5;
	[dreg:$0x9] =	wrdreg s16  }
0x1f: {  	s10 =	simm.s32 $0x6080;
	s18 =	sadd.s32 $0x4800, s5;
	[dreg:$0xa] =	wrdreg s17  }
0x20: {  	s21 =	simm.s32 $0x880;
	s19 =	sadd.s32 $0x5000, s5;
	[dreg:$0xb] =	wrdreg s18  }
0x21: {  	s22 =	simm.s32 $0x1080;
	s5 =	simm.s32 $0xB880;
	[dreg:$0xc] =	wrdreg s19  }
0x22: {  	s23 =	simm.s32 $0x1880;
	[dreg:$0x13] =	wrdreg s5;
	s12 =	simm.s32 $0xF880  }
0x23: {  	s24 =	simm.s32 $0x2080;
	s13 =	simm.s32 $0x10880;
	[dreg:$0x1a] =	wrdreg s12  }
0x24: {  	s25 =	simm.s32 $0x2880;
	s14 =	simm.s32 $0x11080;
	[dreg:$0x1b] =	wrdreg s13  }
0x25: {  	s7 =	smax.u32 s0, $0x1;
	s15 =	simm.s32 $0x11880;
	[dreg:$0x1c] =	wrdreg s14  }
0x26: {  	s0 =	simm.s32 $0x7;
	s16 =	simm.s32 $0x12080;
	[dreg:$0x1d] =	wrdreg s15  }
0x27: {  	s26 =	simm.s32 $0x3080;
	s17 =	simm.s32 $0x12880;
	[dreg:$0x1e] =	wrdreg s16  }
0x28: {  	s4 =	sadd.s32 $0x100, s2;
	s18 =	simm.s32 $0x13080;
	[dreg:$0x1f] =	wrdreg s17  }
0x29: {  	s6 =	sadd.s32 $0x300, s2;
	s19 =	simm.s32 $0x13880;
	[smem:$0x7F5] =	sst s18  }
0x2a: {  	v2 =	vlaneseq.u32;
	s1 =	simm.s32 $0x1;
	s5 =	sadd.s32 $0x200, s2;
	[smem:$0x7F6] =	sst s19  }
0x2b: {  	vm0 =	vmmov $0xffff;
	v1 =	vshrl.u32 v2, $0x3;
	s17 =	simm.s32 $0x80;
	s12 =	simm.s32 $0x6880;
	s13 =	simm.s32 $0x7080  }
0x2c: {  	v0 =	vand.u32 $0x7, v2;
	v2 =	vor.u32 $0x8, v2;
	v1 =	vmul.u32 $0x8, v1;
	s14 =	simm.s32 $0x7880;
	s16 =	simm.s32 $0xC080;
	s18 =	simm.s32 $0x10080  }
.LBB2_1:
0x2d: {  	s19 =	rddreg [dreg:$0x4];
	s8 =	simm.s32 $0xD  }
0x2e: {  	[tilespmem:s3], [sflag:$0xD] =	stream.linear.gather [hbm4b:s19+s3], $0x80, $0x38;
	[tilespmem:$0x18080] =	vst v63  }
0x2f: {  	_ =	swait.ge [sflag:s8], $0x80  }
0x30: {  	[sflag:s8] =	ssyncset.done $0x0  }
0x31: {  	[sflag:s8] =	ssyncadd.s32 $0xFFFFFF80  }
0x32: {  	v3 =	vld [tilespmem:$0x0];
	_ =	sdelay $0x4  }
0x33: {  	v4 =	vshll.u32 v3, $0x3  }
0x34: {  	v3 =	vand.u32 $0x7, v3;
	v4 =	vand.u32 $0xFFFFFFC0, v4  }
0x35: {  	v3 =	vor.u32 v3, v4  }
0x36: {  	v4 =	vperm.xlane v3, v0;
	_ =	sdelay $0x1  }
0x37: {  	v4 =	vadd.s32 v1, v4;
	_ =	sdelay $0x4  }
0x38: {  	[tilespmem:s17], [sflag:$0x1] =	stream.indirect_vreg.gather [hbm4b:s2+s3], $0x80, v4, vm0, $0xb8;
	[tilespmem:$0x18080] =	vst v63  }
0x39: {  	v3 =	vperm.xlane v3, v2  }
0x3a: {  	[tilespmem:s21], [sflag:$0x1] =	stream.indirect_vreg.gather [hbm4b:s4+s3], $0x80, v4, vm0, $0xb8;
	[tilespmem:$0x18080] =	vst v63  }
0x3b: {  	v3 =	vadd.s32 v1, v3  }
0x3c: {  	[tilespmem:s22], [sflag:$0x1] =	stream.indirect_vreg.gather [hbm4b:s5+s3], $0x80, v4, vm0, $0xb8;
	[tilespmem:$0x18080] =	vst v63  }
0x3d: {  	_ = 	snop  }
0x3e: {  	[tilespmem:s23], [sflag:$0x1] =	stream.indirect_vreg.gather [hbm4b:s6+s3], $0x80, v4, vm0, $0xb8;
	[tilespmem:$0x18080] =	vst v63  }
0x3f: {  	_ = 	snop  }
0x40: {  	[tilespmem:s24], [sflag:$0x1] =	stream.indirect_vreg.gather [hbm4b:s2+s3], $0x80, v3, vm0, $0xb8;
	[tilespmem:$0x18080] =	vst v63  }
0x41: {  	_ = 	snop  }
0x42: {  	[tilespmem:s25], [sflag:$0x1] =	stream.indirect_vreg.gather [hbm4b:s4+s3], $0x80, v3, vm0, $0xb8;
	[tilespmem:$0x18080] =	vst v63  }
0x43: {  	_ = 	snop  }
0x44: {  	[tilespmem:s26], [sflag:$0x1] =	stream.indirect_vreg.gather [hbm4b:s5+s3], $0x80, v3, vm0, $0xb8;
	[tilespmem:$0x18080] =	vst v63  }
0x45: {  	_ = 	snop  }
0x46: {  	[tilespmem:s29], [sflag:$0x1] =	stream.indirect_vreg.gather [hbm4b:s6+s3], $0x80, v3, vm0, $0xb8;
	[tilespmem:$0x18080] =	vst v63  }
0x47: {  	v3 =	vld [tilespmem:$0x10];
	_ =	sdelay $0x4  }
0x48: {  	v57 =	vshll.u32 v3, $0x3  }
0x49: {  	v3 =	vand.u32 $0x7, v3;
	v4 =	vand.u32 $0xFFFFFFC0, v57  }
0x4a: {  	v3 =	vor.u32 v3, v4  }
0x4b: {  	v4 =	vperm.xlane v3, v0;
	_ =	sdelay $0x1  }
0x4c: {  	v4 =	vadd.s32 v1, v4;
	_ =	sdelay $0x4  }
0x4d: {  	[tilespmem:s28], [sflag:$0x2] =	stream.indirect_vreg.gather [hbm4b:s2+s3], $0x80, v4, vm0, $0xb8;
	[tilespmem:$0x18080] =	vst v63  }
0x4e: {  	v3 =	vperm.xlane v3, v2  }
0x4f: {  	[tilespmem:s31], [sflag:$0x2] =	stream.indirect_vreg.gather [hbm4b:s4+s3], $0x80, v4, vm0, $0xb8;
	[tilespmem:$0x18080] =	vst v63  }
0x50: {  	s8 =	simm.s32 $0x5080;
	v3 =	vadd.s32 v1, v3  }
0x51: {  	[tilespmem:s8], [sflag:$0x2] =	stream.indirect_vreg.gather [hbm4b:s5+s3], $0x80, v4, vm0, $0xb8;
	[tilespmem:$0x18080] =	vst v63  }
0x52: {  	s9 =	simm.s32 $0x5880  }
0x53: {  	[tilespmem:s9], [sflag:$0x2] =	stream.indirect_vreg.gather [hbm4b:s6+s3], $0x80, v4, vm0, $0xb8;
	[tilespmem:$0x18080] =	vst v63  }
0x54: {  	_ = 	snop  }
0x55: {  	[tilespmem:s10], [sflag:$0x2] =	stream.indirect_vreg.gather [hbm4b:s2+s3], $0x80, v3, vm0, $0xb8;
	[tilespmem:$0x18080] =	vst v63  }
0x56: {  	_ = 	snop  }
0x57: {  	[tilespmem:s12], [sflag:$0x2] =	stream.indirect_vreg.gather [hbm4b:s4+s3], $0x80, v3, vm0, $0xb8;
	[tilespmem:$0x18080] =	vst v63  }
0x58: {  	_ = 	snop  }
0x59: {  	[tilespmem:s13], [sflag:$0x2] =	stream.indirect_vreg.gather [hbm4b:s5+s3], $0x80, v3, vm0, $0xb8;
	[tilespmem:$0x18080] =	vst v63  }
0x5a: {  	_ = 	snop  }
0x5b: {  	[tilespmem:s14], [sflag:$0x2] =	stream.indirect_vreg.gather [hbm4b:s6+s3], $0x80, v3, vm0, $0xb8;
	[tilespmem:$0x18080] =	vst v63  }
0x5c: {  	v3 =	vld [tilespmem:$0x20];
	_ =	sdelay $0x4  }
0x5d: {  	v58 =	vshll.u32 v3, $0x3  }
0x5e: {  	v3 =	vand.u32 $0x7, v3;
	v4 =	vand.u32 $0xFFFFFFC0, v58  }
0x5f: {  	v3 =	vor.u32 v3, v4  }
0x60: {  	v4 =	vperm.xlane v3, v0;
	_ =	sdelay $0x1  }
0x61: {  	v4 =	vadd.s32 v1, v4;
	_ =	sdelay $0x3  }
0x62: {  	s15 =	simm.s32 $0x8080  }
0x63: {  	[tilespmem:s15], [sflag:$0x3] =	stream.indirect_vreg.gather [hbm4b:s2+s3], $0x80, v4, vm0, $0xb8;
	[tilespmem:$0x18080] =	vst v63  }
0x64: {  	s9 =	rddreg [dreg:$0xd];
	v3 =	vperm.xlane v3, v2  }
0x65: {  	[tilespmem:s9], [sflag:$0x3] =	stream.indirect_vreg.gather [hbm4b:s4+s3], $0x80, v4, vm0, $0xb8;
	[tilespmem:$0x18080] =	vst v63  }
0x66: {  	s20 =	rddreg [dreg:$0xe];
	v3 =	vadd.s32 v1, v3  }
0x67: {  	[tilespmem:s20], [sflag:$0x3] =	stream.indirect_vreg.gather [hbm4b:s5+s3], $0x80, v4, vm0, $0xb8;
	[tilespmem:$0x18080] =	vst v63  }
0x68: {  	s9 =	rddreg [dreg:$0xf]  }
0x69: {  	[tilespmem:s9], [sflag:$0x3] =	stream.indirect_vreg.gather [hbm4b:s6+s3], $0x80, v4, vm0, $0xb8;
	[tilespmem:$0x18080] =	vst v63  }
0x6a: {  	s20 =	rddreg [dreg:$0x10]  }
0x6b: {  	[tilespmem:s20], [sflag:$0x3] =	stream.indirect_vreg.gather [hbm4b:s2+s3], $0x80, v3, vm0, $0xb8;
	[tilespmem:$0x18080] =	vst v63  }
0x6c: {  	s9 =	rddreg [dreg:$0x11]  }
0x6d: {  	[tilespmem:s9], [sflag:$0x3] =	stream.indirect_vreg.gather [hbm4b:s4+s3], $0x80, v3, vm0, $0xb8;
	[tilespmem:$0x18080] =	vst v63  }
0x6e: {  	s20 =	rddreg [dreg:$0x12]  }
0x6f: {  	[tilespmem:s20], [sflag:$0x3] =	stream.indirect_vreg.gather [hbm4b:s5+s3], $0x80, v3, vm0, $0xb8;
	[tilespmem:$0x18080] =	vst v63  }
0x70: {  	s9 =	rddreg [dreg:$0x13]  }
0x71: {  	[tilespmem:s9], [sflag:$0x3] =	stream.indirect_vreg.gather [hbm4b:s6+s3], $0x80, v3, vm0, $0xb8;
	[tilespmem:$0x18080] =	vst v63  }
0x72: {  	v3 =	vld [tilespmem:$0x30];
	_ =	sdelay $0x4  }
0x73: {  	v59 =	vshll.u32 v3, $0x3  }
0x74: {  	v3 =	vand.u32 $0x7, v3;
	v4 =	vand.u32 $0xFFFFFFC0, v59  }
0x75: {  	v3 =	vor.u32 v3, v4  }
0x76: {  	v4 =	vperm.xlane v3, v0;
	_ =	sdelay $0x1  }
0x77: {  	v4 =	vadd.s32 v1, v4;
	_ =	sdelay $0x4  }
0x78: {  	[tilespmem:s16], [sflag:$0x4] =	stream.indirect_vreg.gather [hbm4b:s2+s3], $0x80, v4, vm0, $0xb8;
	[tilespmem:$0x18080] =	vst v63  }
0x79: {  	s9 =	rddreg [dreg:$0x14];
	v3 =	vperm.xlane v3, v2  }
0x7a: {  	[tilespmem:s9], [sflag:$0x4] =	stream.indirect_vreg.gather [hbm4b:s4+s3], $0x80, v4, vm0, $0xb8;
	[tilespmem:$0x18080] =	vst v63  }
0x7b: {  	s20 =	rddreg [dreg:$0x15];
	v3 =	vadd.s32 v1, v3  }
0x7c: {  	[tilespmem:s20], [sflag:$0x4] =	stream.indirect_vreg.gather [hbm4b:s5+s3], $0x80, v4, vm0, $0xb8;
	[tilespmem:$0x18080] =	vst v63  }
0x7d: {  	s9 =	rddreg [dreg:$0x16]  }
0x7e: {  	[tilespmem:s9], [sflag:$0x4] =	stream.indirect_vreg.gather [hbm4b:s6+s3], $0x80, v4, vm0, $0xb8;
	[tilespmem:$0x18080] =	vst v63  }
0x7f: {  	s20 =	rddreg [dreg:$0x17]  }
0x80: {  	[tilespmem:s20], [sflag:$0x4] =	stream.indirect_vreg.gather [hbm4b:s2+s3], $0x80, v3, vm0, $0xb8;
	[tilespmem:$0x18080] =	vst v63  }
0x81: {  	s9 =	rddreg [dreg:$0x18]  }
0x82: {  	[tilespmem:s9], [sflag:$0x4] =	stream.indirect_vreg.gather [hbm4b:s4+s3], $0x80, v3, vm0, $0xb8;
	[tilespmem:$0x18080] =	vst v63  }
0x83: {  	s20 =	rddreg [dreg:$0x19]  }
0x84: {  	[tilespmem:s20], [sflag:$0x4] =	stream.indirect_vreg.gather [hbm4b:s5+s3], $0x80, v3, vm0, $0xb8;
	[tilespmem:$0x18080] =	vst v63  }
0x85: {  	s9 =	rddreg [dreg:$0x1a]  }
0x86: {  	[tilespmem:s9], [sflag:$0x4] =	stream.indirect_vreg.gather [hbm4b:s6+s3], $0x80, v3, vm0, $0xb8;
	[tilespmem:$0x18080] =	vst v63  }
0x87: {  	_ =	swait.ge [sflag:s1], $0x4000  }
0x88: {  	[sflag:s1] =	ssyncset.done $0x0  }
0x89: {  	s20 =	rddreg [dreg:$0x5];
	[sflag:s1] =	ssyncadd.s32 $0xFFFFC000  }
0x8a: {  	[hbm4b:s20+s3] =	stream.linear.scatter [tilespmem:s17], [sflag:$0x7], $0x4000, $0x38;
	[tilespmem:$0x18080] =	vst v63  }
0x8b: {  	v3 =	vld [tilespmem:$0x40];
	_ =	sdelay $0x4  }
0x8c: {  	v60 =	vshll.u32 v3, $0x3  }
0x8d: {  	v3 =	vand.u32 $0x7, v3;
	v4 =	vand.u32 $0xFFFFFFC0, v60  }
0x8e: {  	v3 =	vor.u32 v3, v4  }
0x8f: {  	v4 =	vperm.xlane v3, v0;
	_ =	sdelay $0x1  }
0x90: {  	v4 =	vadd.s32 v1, v4;
	_ =	sdelay $0x3  }
0x91: {  	s9 =	rddreg [dreg:$0x1b]  }
0x92: {  	[tilespmem:s18], [sflag:$0x5] =	stream.indirect_vreg.gather [hbm4b:s2+s3], $0x80, v4, vm0, $0xb8;
	[tilespmem:$0x18080] =	vst v63  }
0x93: {  	s20 =	rddreg [dreg:$0x1c];
	v3 =	vperm.xlane v3, v2  }
0x94: {  	[tilespmem:s9], [sflag:$0x5] =	stream.indirect_vreg.gather [hbm4b:s4+s3], $0x80, v4, vm0, $0xb8;
	[tilespmem:$0x18080] =	vst v63  }
0x95: {  	v3 =	vadd.s32 v1, v3;
	s9 =	rddreg [dreg:$0x1d]  }
0x96: {  	[tilespmem:s20], [sflag:$0x5] =	stream.indirect_vreg.gather [hbm4b:s5+s3], $0x80, v4, vm0, $0xb8;
	[tilespmem:$0x18080] =	vst v63  }
0x97: {  	s20 =	rddreg [dreg:$0x1e]  }
0x98: {  	[tilespmem:s9], [sflag:$0x5] =	stream.indirect_vreg.gather [hbm4b:s6+s3], $0x80, v4, vm0, $0xb8;
	[tilespmem:$0x18080] =	vst v63  }
0x99: {  	s9 =	rddreg [dreg:$0x1f]  }
0x9a: {  	[tilespmem:s20], [sflag:$0x5] =	stream.indirect_vreg.gather [hbm4b:s2+s3], $0x80, v3, vm0, $0xb8;
	[tilespmem:$0x18080] =	vst v63  }
0x9b: {  	s20 =	sld [smem:$0x7F5]  }
0x9c: {  	[tilespmem:s9], [sflag:$0x5] =	stream.indirect_vreg.gather [hbm4b:s4+s3], $0x80, v3, vm0, $0xb8;
	[tilespmem:$0x18080] =	vst v63  }
0x9d: {  	s9 =	sld [smem:$0x7F6]  }
0x9e: {  	[tilespmem:s20], [sflag:$0x5] =	stream.indirect_vreg.gather [hbm4b:s5+s3], $0x80, v3, vm0, $0xb8;
	[tilespmem:$0x18080] =	vst v63  }
0x9f: {  	_ = 	snop  }
0xa0: {  	[tilespmem:s9], [sflag:$0x5] =	stream.indirect_vreg.gather [hbm4b:s6+s3], $0x80, v3, vm0, $0xb8;
	[tilespmem:$0x18080] =	vst v63  }
0xa1: {  	_ =	swait.ge [sflag:s30], $0x4000  }
0xa2: {  	[sflag:s30] =	ssyncset.done $0x0  }
0xa3: {  	s9 =	rddreg [dreg:$0x6];
	[sflag:s30] =	ssyncadd.s32 $0xFFFFC000  }
0xa4: {  	[hbm4b:s9+s3] =	stream.linear.scatter [tilespmem:s28], [sflag:$0x8], $0x4000, $0x38;
	[tilespmem:$0x18080] =	vst v63  }
0xa5: {  	v3 =	vld [tilespmem:$0x50];
	_ =	sdelay $0x4  }
0xa6: {  	v61 =	vshll.u32 v3, $0x3  }
0xa7: {  	v3 =	vand.u32 $0x7, v3;
	v4 =	vand.u32 $0xFFFFFFC0, v61  }
0xa8: {  	v3 =	vor.u32 v3, v4  }
0xa9: {  	v4 =	vperm.xlane v3, v0;
	_ =	sdelay $0x1  }
0xaa: {  	v4 =	vadd.s32 v1, v4;
	_ =	sdelay $0x3  }
0xab: {  	s19 =	sld [smem:$0x7F7];
	s9 =	simm.s32 $0x14080  }
0xac: {  	[tilespmem:s9], [sflag:$0x6] =	stream.indirect_vreg.gather [hbm4b:s2+s3], $0x80, v4, vm0, $0xb8;
	[tilespmem:$0x18080] =	vst v63  }
0xad: {  	s20 =	sld [smem:$0x7F8];
	v3 =	vperm.xlane v3, v2  }
0xae: {  	[tilespmem:s19], [sflag:$0x6] =	stream.indirect_vreg.gather [hbm4b:s4+s3], $0x80, v4, vm0, $0xb8;
	[tilespmem:$0x18080] =	vst v63  }
0xaf: {  	v3 =	vadd.s32 v1, v3;
	s19 =	sld [smem:$0x7F9]  }
0xb0: {  	[tilespmem:s20], [sflag:$0x6] =	stream.indirect_vreg.gather [hbm4b:s5+s3], $0x80, v4, vm0, $0xb8;
	[tilespmem:$0x18080] =	vst v63  }
0xb1: {  	s20 =	sld [smem:$0x7FA]  }
0xb2: {  	[tilespmem:s19], [sflag:$0x6] =	stream.indirect_vreg.gather [hbm4b:s6+s3], $0x80, v4, vm0, $0xb8;
	[tilespmem:$0x18080] =	vst v63  }
0xb3: {  	s19 =	sld [smem:$0x7FB]  }
0xb4: {  	[tilespmem:s20], [sflag:$0x6] =	stream.indirect_vreg.gather [hbm4b:s2+s3], $0x80, v3, vm0, $0xb8;
	[tilespmem:$0x18080] =	vst v63  }
0xb5: {  	s20 =	sld [smem:$0x7FC]  }
0xb6: {  	[tilespmem:s19], [sflag:$0x6] =	stream.indirect_vreg.gather [hbm4b:s4+s3], $0x80, v3, vm0, $0xb8;
	[tilespmem:$0x18080] =	vst v63  }
0xb7: {  	s19 =	sld [smem:$0x7FD]  }
0xb8: {  	[tilespmem:s20], [sflag:$0x6] =	stream.indirect_vreg.gather [hbm4b:s5+s3], $0x80, v3, vm0, $0xb8;
	[tilespmem:$0x18080] =	vst v63  }
0xb9: {  	s20 =	simm.s32 $0x3  }
0xba: {  	[tilespmem:s19], [sflag:$0x6] =	stream.indirect_vreg.gather [hbm4b:s6+s3], $0x80, v3, vm0, $0xb8;
	[tilespmem:$0x18080] =	vst v63  }
0xbb: {  	_ =	swait.ge [sflag:s20], $0x4000  }
0xbc: {  	[sflag:s20] =	ssyncset.done $0x0  }
0xbd: {  	s19 =	rddreg [dreg:$0x7];
	[sflag:s20] =	ssyncadd.s32 $0xFFFFC000  }
0xbe: {  	[hbm4b:s19+s3] =	stream.linear.scatter [tilespmem:s15], [sflag:$0x9], $0x4000, $0x38;
	[tilespmem:$0x18080] =	vst v63  }
0xbf: {  	_ =	swait.ge [sflag:s0], $0x4000  }
0xc0: {  	[sflag:s0] =	ssyncset.done $0x0  }
0xc1: {  	[sflag:s0] =	ssyncadd.s32 $0xFFFFC000  }
0xc2: {  	v3 =	vld [tilespmem:$0x60];
	_ =	sdelay $0x4  }
0xc3: {  	v62 =	vshll.u32 v3, $0x3  }
0xc4: {  	v3 =	vand.u32 $0x7, v3;
	v4 =	vand.u32 $0xFFFFFFC0, v62  }
0xc5: {  	v3 =	vor.u32 v3, v4  }
0xc6: {  	v4 =	vperm.xlane v3, v0;
	_ =	sdelay $0x1  }
0xc7: {  	v4 =	vadd.s32 v1, v4;
	_ =	sdelay $0x4  }
0xc8: {  	[tilespmem:s17], [sflag:$0x1] =	stream.indirect_vreg.gather [hbm4b:s2+s3], $0x80, v4, vm0, $0xb8;
	[tilespmem:$0x18080] =	vst v63  }
0xc9: {  	v3 =	vperm.xlane v3, v2  }
0xca: {  	[tilespmem:s21], [sflag:$0x1] =	stream.indirect_vreg.gather [hbm4b:s4+s3], $0x80, v4, vm0, $0xb8;
	[tilespmem:$0x18080] =	vst v63  }
0xcb: {  	v3 =	vadd.s32 v1, v3  }
0xcc: {  	[tilespmem:s22], [sflag:$0x1] =	stream.indirect_vreg.gather [hbm4b:s5+s3], $0x80, v4, vm0, $0xb8;
	[tilespmem:$0x18080] =	vst v63  }
0xcd: {  	_ = 	snop  }
0xce: {  	[tilespmem:s23], [sflag:$0x1] =	stream.indirect_vreg.gather [hbm4b:s6+s3], $0x80, v4, vm0, $0xb8;
	[tilespmem:$0x18080] =	vst v63  }
0xcf: {  	_ = 	snop  }
0xd0: {  	[tilespmem:s24], [sflag:$0x1] =	stream.indirect_vreg.gather [hbm4b:s2+s3], $0x80, v3, vm0, $0xb8;
	[tilespmem:$0x18080] =	vst v63  }
0xd1: {  	_ = 	snop  }
0xd2: {  	[tilespmem:s25], [sflag:$0x1] =	stream.indirect_vreg.gather [hbm4b:s4+s3], $0x80, v3, vm0, $0xb8;
	[tilespmem:$0x18080] =	vst v63  }
0xd3: {  	_ = 	snop  }
0xd4: {  	[tilespmem:s26], [sflag:$0x1] =	stream.indirect_vreg.gather [hbm4b:s5+s3], $0x80, v3, vm0, $0xb8;
	[tilespmem:$0x18080] =	vst v63  }
0xd5: {  	s19 =	simm.s32 $0x4  }
0xd6: {  	[tilespmem:s29], [sflag:$0x1] =	stream.indirect_vreg.gather [hbm4b:s6+s3], $0x80, v3, vm0, $0xb8;
	[tilespmem:$0x18080] =	vst v63  }
0xd7: {  	_ =	swait.ge [sflag:s19], $0x4000  }
0xd8: {  	[sflag:s19] =	ssyncset.done $0x0  }
0xd9: {  	s20 =	rddreg [dreg:$0x8];
	[sflag:s19] =	ssyncadd.s32 $0xFFFFC000  }
0xda: {  	[hbm4b:s20+s3] =	stream.linear.scatter [tilespmem:s16], [sflag:$0xA], $0x4000, $0x38;
	[tilespmem:$0x18080] =	vst v63  }
0xdb: {  	_ =	swait.ge [sflag:s11], $0x4000  }
0xdc: {  	[sflag:s11] =	ssyncset.done $0x0  }
0xdd: {  	[sflag:s11] =	ssyncadd.s32 $0xFFFFC000  }
0xde: {  	v3 =	vld [tilespmem:$0x70];
	_ =	sdelay $0x4  }
0xdf: {  	v63 =	vshll.u32 v3, $0x3  }
0xe0: {  	v3 =	vand.u32 $0x7, v3;
	v4 =	vand.u32 $0xFFFFFFC0, v63  }
0xe1: {  	v3 =	vor.u32 v3, v4  }
0xe2: {  	v4 =	vperm.xlane v3, v0;
	_ =	sdelay $0x1  }
0xe3: {  	v4 =	vadd.s32 v1, v4;
	_ =	sdelay $0x4  }
0xe4: {  	[tilespmem:s28], [sflag:$0x2] =	stream.indirect_vreg.gather [hbm4b:s2+s3], $0x80, v4, vm0, $0xb8;
	[tilespmem:$0x18080] =	vst v63  }
0xe5: {  	v3 =	vperm.xlane v3, v2  }
0xe6: {  	[tilespmem:s31], [sflag:$0x2] =	stream.indirect_vreg.gather [hbm4b:s4+s3], $0x80, v4, vm0, $0xb8;
	[tilespmem:$0x18080] =	vst v63  }
0xe7: {  	v3 =	vadd.s32 v1, v3  }
0xe8: {  	[tilespmem:s8], [sflag:$0x2] =	stream.indirect_vreg.gather [hbm4b:s5+s3], $0x80, v4, vm0, $0xb8;
	[tilespmem:$0x18080] =	vst v63  }
0xe9: {  	s19 =	simm.s32 $0x5880  }
0xea: {  	[tilespmem:s19], [sflag:$0x2] =	stream.indirect_vreg.gather [hbm4b:s6+s3], $0x80, v4, vm0, $0xb8;
	[tilespmem:$0x18080] =	vst v63  }
0xeb: {  	_ = 	snop  }
0xec: {  	[tilespmem:s10], [sflag:$0x2] =	stream.indirect_vreg.gather [hbm4b:s2+s3], $0x80, v3, vm0, $0xb8;
	[tilespmem:$0x18080] =	vst v63  }
0xed: {  	_ = 	snop  }
0xee: {  	[tilespmem:s12], [sflag:$0x2] =	stream.indirect_vreg.gather [hbm4b:s4+s3], $0x80, v3, vm0, $0xb8;
	[tilespmem:$0x18080] =	vst v63  }
0xef: {  	_ = 	snop  }
0xf0: {  	[tilespmem:s13], [sflag:$0x2] =	stream.indirect_vreg.gather [hbm4b:s5+s3], $0x80, v3, vm0, $0xb8;
	[tilespmem:$0x18080] =	vst v63  }
0xf1: {  	s20 =	simm.s32 $0x5  }
0xf2: {  	[tilespmem:s14], [sflag:$0x2] =	stream.indirect_vreg.gather [hbm4b:s6+s3], $0x80, v3, vm0, $0xb8;
	[tilespmem:$0x18080] =	vst v63  }
0xf3: {  	_ =	swait.ge [sflag:s20], $0x4000  }
0xf4: {  	[sflag:s20] =	ssyncset.done $0x0  }
0xf5: {  	s15 =	rddreg [dreg:$0x9];
	[sflag:s20] =	ssyncadd.s32 $0xFFFFC000;
	s20 =	simm.s32 $0x6  }
0xf6: {  	[hbm4b:s15+s3] =	stream.linear.scatter [tilespmem:s18], [sflag:$0xB], $0x4000, $0x38;
	[tilespmem:$0x18080] =	vst v63  }
0xf7: {  	_ =	swait.ge [sflag:s20], $0x4000  }
0xf8: {  	[sflag:s20] =	ssyncset.done $0x0  }
0xf9: {  	s15 =	rddreg [dreg:$0xa];
	[sflag:s20] =	ssyncadd.s32 $0xFFFFC000  }
0xfa: {  	[hbm4b:s15+s3] =	stream.linear.scatter [tilespmem:s9], [sflag:$0xC], $0x4000, $0x38;
	[tilespmem:$0x18080] =	vst v63  }
0xfb: {  	_ =	swait.ge [sflag:s1], $0x4000  }
0xfc: {  	[sflag:s1] =	ssyncset.done $0x0  }
0xfd: {  	s20 =	rddreg [dreg:$0xb];
	[sflag:s1] =	ssyncadd.s32 $0xFFFFC000  }
0xfe: {  	[hbm4b:s20+s3] =	stream.linear.scatter [tilespmem:s17], [sflag:$0x7], $0x4000, $0x38;
	[tilespmem:$0x18080] =	vst v63  }
0xff: {  	_ =	swait.ge [sflag:s30], $0x4000  }
0x100: {  	[sflag:s30] =	ssyncset.done $0x0  }
0x101: {  	s9 =	simm.s32 $0x9;
	s8 =	rddreg [dreg:$0xc];
	[sflag:s30] =	ssyncadd.s32 $0xFFFFC000  }
0x102: {  	[hbm4b:s8+s3] =	stream.linear.scatter [tilespmem:s28], [sflag:$0x8], $0x4000, $0x38;
	[tilespmem:$0x18080] =	vst v63  }
0x103: {  	_ =	swait.ge [sflag:s9], $0x4000  }
0x104: {  	[sflag:s9] =	ssyncset.done $0x0  }
0x105: {  	s15 =	simm.s32 $0xA;
	[sflag:s9] =	ssyncadd.s32 $0xFFFFC000  }
0x106: {  	_ =	swait.ge [sflag:s15], $0x4000  }
0x107: {  	[sflag:s15] =	ssyncset.done $0x0  }
0x108: {  	s19 =	simm.s32 $0xB;
	[sflag:s15] =	ssyncadd.s32 $0xFFFFC000  }
0x109: {  	_ =	swait.ge [sflag:s19], $0x4000  }
0x10a: {  	[sflag:s19] =	ssyncset.done $0x0  }
0x10b: {  	s20 =	simm.s32 $0xC;
	[sflag:s19] =	ssyncadd.s32 $0xFFFFC000  }
0x10c: {  	_ =	swait.ge [sflag:s20], $0x4000  }
0x10d: {  	[sflag:s20] =	ssyncset.done $0x0  }
0x10e: {  	[sflag:s20] =	ssyncadd.s32 $0xFFFFC000  }
0x10f: {  	p0 =	sne.s32 s7, $0x1;
	_ =	swait.ge [sflag:s0], $0x4000  }
.Ltmp0:
0x110: {  	[sflag:s0] =	ssyncset.done $0x0;
	(pc) =	sbr.rel @p0 .LBB2_1-.Ltmp0, $4  }
0x111: {  	[sflag:s0] =	ssyncadd.s32 $0xFFFFC000  }
0x112: {  	_ =	swait.ge [sflag:s11], $0x4000  }
0x113: {  	[sflag:s11] =	ssyncset.done $0x0  }
0x114: {  	s7 =	sadd.s32 $0xFFFFFFFF, s7;
	[sflag:s11] =	ssyncadd.s32 $0xFFFFC000  }
0x115: {  	_ =	sfence.sel $0x180000  }
0x116: {  	[bflag:$0x0] =	sbarrier.arrive $0xFFFF  }
0x117: {  	_ =	strace $0x90000047  }
0x118: {  	s0 =	stileid.u32;
	[bflag:$0x2] =	sbarrier.arrive $0xFFFF  }
0x119: {  	p0 =	sne.s32 s0, $0x0;
	s0 =	rddreg [dreg:$0x3]  }
0x11a: {  	s0 =	sadd.s32 @!p0 $0x100000, s0  }
0x11b: {  	[sflag:s0] =	ssyncadd.tile.s32 @!p0 $0x1;
	_ =	shalt  }
.Lfunc_end2:
_tile_overlayer_lowered:
.L_overlay_start_2:
0x11c: {  	(tag) =	ssettag $0x2  }
0x11d: {  	s0 =	rddreg [dreg:$0x0];
	s2 =	stileid.u32  }
0x11e: {  	s1 =	rddreg [dreg:$0x1];
	p0 =	sne.s32 s2, $0x0  }
0x11f: {  	s3 =	rddreg [dreg:$0x2];
	[bflag:$0x3] =	sbarrier.arrive $0xFFFF;
	s2 =	simm.s32 @!p0 $0x1C0D  }
0x120: {  	[timem:s3], [sflag:s2] =	dma.local @!p0 [hbm:s0], s1  }
0x121: {  	s0 =	simm.s32 @!p0 $0xD  }
0x122: {  	_ =	swait.ge @!p0 [sflag:s0], s1  }
0x123: {  	s1 =	ssub.s32 @!p0 $0x0, s1;
	[sflag:s0] =	ssyncset.done @!p0 $0x0  }
0x124: {  	[sflag:s0] =	ssyncadd.s32 @!p0 s1  }
0x125: {  	[bflag:$0x3] =	sbarrier.arrive $0xFFFF  }
0x126: {  	_ =	shalt  }

// kernel: kernel.9.cloned.1.call-start
scs
__scs_entry_jumppad:
0x0: {  	(pc) =	sbr.rel $0x88, $3  }
0x1: {  	(tag) =	ssettag $0x0;
	lr =	simm.s32 $0x1  }
0x2: {  	[smem:$0x3F9A] =	sst lr;
	_ =	strace $0xD0000000  }
0x3: {  	_ = 	snop  }
0x4: {  	_ = 	snop  }
0x5: {  	_ = 	snop  }
0x6: {  	_ = 	snop  }
0x7: {  	_ = 	snop  }
__scs_overlays_trampoline_lowered:
0x8: {  	[smem:$0x3FA9] =	sst s0  }
0x9: {  	[smem:$0x3FAA] =	sst s1  }
0xa: {  	[smem:$0x3FAB] =	sst s2  }
0xb: {  	[smem:$0x3FAC] =	sst s3  }
0xc: {  	[smem:$0x3FAD] =	sst s4  }
0xd: {  	[smem:$0x3FAE] =	sst s5  }
0xe: {  	[smem:$0x3FAF] =	sst s6  }
0xf: {  	[smem:$0x3FB0] =	sst s7  }
0x10: {  	[smem:$0x3FB1] =	sst s8  }
0x11: {  	[smem:$0x3FB2] =	sst s9;
	s0 =	simm.s32 @!p0 $0x0  }
0x12: {  	s1 =	sld [smem:$0x3F98];
	s0 =	simm.s32 @p0 $0x1  }
0x13: {  	[smem:$0x3FB3] =	sst s0;
	s0 =	simm.s32 @!p1 $0x0  }
0x14: {  	s2 =	sld [smem:$0x3F97];
	s0 =	simm.s32 @p1 $0x1  }
0x15: {  	[smem:$0x3FB4] =	sst s0;
	s0 =	simm.s32 @!p2 $0x0  }
0x16: {  	s3 =	sld [smem:$0x3FDB];
	s0 =	simm.s32 @p2 $0x1  }
0x17: {  	s4 =	simm.s32 $0x1BF5;
	[smem:$0x3FB6] =	sst s0  }
0x18: {  	s0 =	sld [smem:$0x3F99];
	_ =	swait.ge [sflag:s4], $0x0  }
0x19: {  	s7 =	sld [smem:$0x3F9A]  }
0x1a: {  	s8 =	sadd.s32 $0xFFFFE003, lr  }
0x1b: {  	s9 =	sadd.s32 $0xFFFFFEF7, lr;
	s5 =	simm.s32 $0xFFFFFFFF;
	p2 =	slt.u32 s8, $0xFFFFF086  }
0x1c: {  	p1 =	slt.u32 s9, $0xF7A;
	s5 =	simm.s32 @!p2 $0x0  }
0x1d: {  	s5 =	simm.s32 @p1 $0x1;
	p0 =	seq.s32 s7, s2  }
0x1e: {  	s7 =	smul.u32 @!p0 $0xF7A, s2;
	p2 =	seq.s32 @!p0 s5, $0x0  }
0x1f: {  	s9 =	smul.u32 $0xF7A, s1;
	s8 =	simm.s32 @!p0 $0x1BF5;
	p2 =	por !p2, p0  }
0x20: {  	[sflag:s8] =	ssyncset.s32 @!p0 $0xFFFFF086;
	s6 =	sadd.s32 @!p0 s3, s7;
	s7 =	simm.s32 @!p0 $0x108  }
0x21: {  	s3 =	sadd.s32 s3, s9;
	s6 =	sadd.s32 @!p0 $0x88, s6;
	s7 =	simm.s32 @p2 $0x1082  }
0x22: {  	[simem:s7], [sflag:s8] =	dma.local @!p0 [hbm:s6], $0xF7A  }
0x23: {  	s9 =	sor.u32 $0xD0000000, s2;
	s6 =	simm.s32 $0x108;
	_ =	swait.ge @!p0 [sflag:s8], $0x0  }
0x24: {  	s3 =	sadd.s32 $0x88, s3;
	s6 =	simm.s32 @!p1 $0x1082;
	[sflag:s4] =	ssyncset.s32 $0xFFFFF086  }
0x25: {  	[simem:s6], [sflag:s4] =	dma.local [hbm:s3], $0xF7A  }
0x26: {  	[smem:$0x3F9A] =	sst s1;
	(tag) =	ssettag s2;
	_ =	strace s9  }
0x27: {  	s1 =	sld [smem:$0x3FAA]  }
0x28: {  	s2 =	sld [smem:$0x3FAB]  }
0x29: {  	s4 =	sld [smem:$0x3FAD]  }
0x2a: {  	p0 =	seq.s32 s5, $0x0;
	s5 =	sld [smem:$0x3FAE]  }
0x2b: {  	s6 =	sld [smem:$0x3FAF]  }
0x2c: {  	s7 =	sld [smem:$0x3FB0]  }
0x2d: {  	s3 =	simm.s32 $0x108;
	s8 =	sld [smem:$0x3FB1]  }
0x2e: {  	s3 =	simm.s32 @!p0 $0x1082;
	s9 =	sld [smem:$0x3FB2]  }
0x2f: {  	lr =	sadd.s32 s0, s3;
	s0 =	sld [smem:$0x3FA9]  }
0x30: {  	s3 =	sld [smem:$0x3FAC]  }
0x31: {  	[smem:$0x3FB5] =	sst s10  }
0x32: {  	s10 =	sld [smem:$0x3FB3];
	_ =	sdelay $0x3  }
0x33: {  	p0 =	seq.s32 s10, $0x1;
	s10 =	sld [smem:$0x3FB5];
	_ =	sdelay $0x3  }
0x34: {  	[smem:$0x3FB5] =	sst s10  }
0x35: {  	s10 =	sld [smem:$0x3FB4];
	_ =	sdelay $0x3  }
0x36: {  	p1 =	seq.s32 s10, $0x1;
	s10 =	sld [smem:$0x3FB5];
	_ =	sdelay $0x3  }
0x37: {  	[smem:$0x3FB5] =	sst s10  }
0x38: {  	s10 =	sld [smem:$0x3FB6]  }
0x39: {  	_ = 	snop;
	(pc) =	sbr.ind lr, $3  }
0x3a: {  	_ = 	snop  }
0x3b: {  	_ = 	snop  }
0x3c: {  	p2 =	seq.s32 s10, $0x1;
	s10 =	sld [smem:$0x3FB5]  }
0x3d: {  	_ =	shalt  }
0x3e: {  	_ =	shalt  }
0x3f: {  	_ =	shalt  }
0x40: {  	_ =	shalt  }
0x41: {  	_ =	shalt  }
0x42: {  	_ =	shalt  }
0x43: {  	_ =	shalt  }
0x44: {  	_ =	shalt  }
0x45: {  	_ =	shalt  }
0x46: {  	_ =	shalt  }
0x47: {  	_ =	shalt  }
0x48: {  	_ =	shalt  }
0x49: {  	_ =	shalt  }
0x4a: {  	_ =	shalt  }
0x4b: {  	_ =	shalt  }
0x4c: {  	_ =	shalt  }
0x4d: {  	_ =	shalt  }
0x4e: {  	_ =	shalt  }
0x4f: {  	_ =	shalt  }
0x50: {  	_ =	shalt  }
0x51: {  	_ =	shalt  }
0x52: {  	_ =	shalt  }
0x53: {  	_ =	shalt  }
0x54: {  	_ =	shalt  }
0x55: {  	_ =	shalt  }
0x56: {  	_ =	shalt  }
0x57: {  	_ =	shalt  }
0x58: {  	_ =	shalt  }
0x59: {  	_ =	shalt  }
0x5a: {  	_ =	shalt  }
0x5b: {  	_ =	shalt  }
0x5c: {  	_ =	shalt  }
0x5d: {  	_ =	shalt  }
0x5e: {  	_ =	shalt  }
0x5f: {  	_ =	shalt  }
0x60: {  	_ =	shalt  }
0x61: {  	_ =	shalt  }
0x62: {  	_ =	shalt  }
0x63: {  	_ =	shalt  }
0x64: {  	_ =	shalt  }
0x65: {  	_ =	shalt  }
0x66: {  	_ =	shalt  }
0x67: {  	_ =	shalt  }
0x68: {  	_ =	shalt  }
0x69: {  	_ =	shalt  }
0x6a: {  	_ =	shalt  }
0x6b: {  	_ =	shalt  }
0x6c: {  	_ =	shalt  }
0x6d: {  	_ =	shalt  }
0x6e: {  	_ =	shalt  }
0x6f: {  	_ =	shalt  }
0x70: {  	_ =	shalt  }
0x71: {  	_ =	shalt  }
0x72: {  	_ =	shalt  }
0x73: {  	_ =	shalt  }
0x74: {  	_ =	shalt  }
0x75: {  	_ =	shalt  }
0x76: {  	_ =	shalt  }
0x77: {  	_ =	shalt  }
0x78: {  	_ =	shalt  }
0x79: {  	_ =	shalt  }
0x7a: {  	_ =	shalt  }
0x7b: {  	_ =	shalt  }
0x7c: {  	_ =	shalt  }
0x7d: {  	_ =	shalt  }
0x7e: {  	_ =	shalt  }
0x7f: {  	_ =	shalt  }
0x80: {  	_ =	shalt  }
0x81: {  	_ =	shalt  }
0x82: {  	_ =	shalt  }
0x83: {  	_ =	shalt  }
0x84: {  	_ =	shalt  }
0x85: {  	_ =	shalt  }
0x86: {  	_ =	shalt  }
0x87: {  	_ =	shalt  }
.Lfunc_end0:
.L_simem_size_0:
called_computation.1_lowered:
.L_overlay_start_0:
0x88: {  	s2 =	sld [smem:$0x3FD9]  }
0x89: {  	s3 =	sld [smem:$0x3FFE];
	_ =	sdelay $0x1  }
0x8a: {  	s1 =	srdreg.scid  }
0x8b: {  	s0 =	sand.u32 $0x1, s1  }
0x8c: {  	s17 =	sshll.u32 s0, $0xA;
	s2 =	sadd.s32 s3, s2  }
0x8d: {  	s2 =	sadd.s32 s2, s17  }
0x8e: {  	[smem:$0x3FC1] =	sst s2  }
0x8f: {  	_ = 	snop  }
0x90: {  	s18 =	sld [smem:$0x3FC7];
	(tm) =	ssettm $0x1  }
0x91: {  	s19 =	sld [smem:$0x3FFB];
	_ =	sdelay $0x3  }
0x92: {  	_ =	strace s19  }
0x93: {  	s2 =	sld [smem:$0x3FFC];
	_ =	sdelay $0x3  }
0x94: {  	_ =	strace s2  }
0x95: {  	s2 =	sld [smem:$0x3FFD];
	_ =	sdelay $0x3  }
0x96: {  	_ =	strace s2  }
0x97: {  	_ =	strace $0x8FFFFFFF  }
0x98: {  	s20 =	sld [smem:$0x3FDB];
	_ =	sdelay $0x1  }
0x99: {  	s4 =	simm.s32 $_scs_section_size  }
0x9a: {  	s5 =	simm.s32 $_size__tile_overlayer_lowered;
	s6 =	simm.s32 $_tile_overlayer_lowered  }
0x9b: {  	s7 =	simm.s32 $0x1BFF;
	s21 =	sshll.u32 s6, $0x1;
	s4 =	sadd.s32 s4, s20  }
0x9c: {  	s22 =	simm.s32 $0x0;
	s5 =	sshll.u32 s5, $0x1;
	s6 =	sadd.s32 s21, s4  }
0x9d: {  	[timem:s22], [sflag:s7] =	dma.local [hbm:s6], s5  }
0x9e: {  	_ =	swait.ge [sflag:s7], s5  }
0x9f: {  	s5 =	ssub.s32 $0x0, s5;
	[sflag:s7] =	ssyncset.done $0x0  }
0xa0: {  	[sflag:s7] =	ssyncadd.s32 s5;
	_ =	sdelay $0x1  }
0xa1: {  	s23 =	simm.s32 $0x1B8B  }
0xa2: {  	_ =	swait.ge [sflag:s23], $0x1  }
0xa3: {  	[sflag:s23] =	ssyncset.done $0x0  }
0xa4: {  	[sflag:s23] =	ssyncadd.s32 $0xFFFFFFFF  }
0xa5: {  	s5 =	sld [smem:$0x0]  }
0xa6: {  	s6 =	sand.u32 $0xFFFFFFFE, s1  }
0xa7: {  	p0 =	sne.s32 s1, s6  }
0xa8: {  	s6 =	sshll.u32 @p0 s6, $0xE  }
0xa9: {  	s6 =	sadd.s32 @p0 $0x11B8D, s6;
	s7 =	sshll.u32 @p0 s5, $0x11  }
0xaa: {  	s6 =	sor.u32 @p0 s7, s6  }
0xab: {  	[sflag:s6] =	ssyncadd.remote.s32 @p0 $0x1;
	_ =	sdelay $0x1  }
0xac: {  	s6 =	simm.s32 @p0 $0x1B8D  }
0xad: {  	_ =	swait.eq @p0 [sflag:s6], $0x1  }
0xae: {  	[sflag:s6] =	ssyncadd.s32 @p0 $0xFFFFFFFF  }
0xaf: {  	s7 =	sshll.u32 @!p0 s1, $0xE  }
0xb0: {  	s7 =	sor.u32 @!p0 $0x4000, s7;
	s6 =	simm.s32 @!p0 $0x1B8D  }
0xb1: {  	s5 =	sshll.u32 @!p0 s5, $0x11;
	s7 =	sadd.s32 @!p0 $0x11B8D, s7;
	_ =	swait.eq @!p0 [sflag:s6], $0x1  }
0xb2: {  	s5 =	sor.u32 @!p0 s5, s7;
	[sflag:s6] =	ssyncadd.s32 @!p0 $0xFFFFFFFF  }
0xb3: {  	s25 =	simm.s32 $0x1B8E;
	s24 =	sld [smem:$0x3FFE];
	[sflag:s5] =	ssyncadd.remote.s32 @!p0 $0x1  }
0xb4: {  	s26 =	simm.s32 $execute0_lowered;
	[smem:$0x3FD2] =	sst s25  }
0xb5: {  	s6 =	sshll.u32 s26, $0x1;
	_ =	strace $0x80000049;
	[dreg:$0x1] =	wrdreg $0xFFFFFFFF  }
0xb6: {  	s28 =	simm.s32 $_size_execute0_lowered;
	s4 =	sadd.s32 s4, s6;
	[dreg:$0x0] =	wrdreg $0x0  }
0xb7: {  	s6 =	sshll.u32 s28, $0x1;
	[dreg:$0x2] =	wrdreg s4  }
0xb8: {  	[dreg:$0x3] =	wrdreg s6  }
0xb9: {  	[dreg:$0x4] =	wrdreg $0xC0  }
0xba: {  	_ =	task [dreg:s22], $0x5FFFF  }
0xbb: {  	[dreg:$0x1] =	wrdreg $0xFFFFFFFF  }
0xbc: {  	[dreg:$0x0] =	wrdreg $0x60  }
0xbd: {  	[dreg:$0x2] =	wrdreg s24  }
0xbe: {  	[dreg:$0x3] =	wrdreg s18  }
0xbf: {  	[dreg:$0x4] =	wrdreg $0xA  }
0xc0: {  	_ =	task.clear_ibuf [dreg:s22], $0x5FFFF;
	_ =	strace $0x90000049  }
0xc1: {  	s29 =	simm.s32 $0xA;
	_ =	strace $0x8000004B  }
0xc2: {  	_ =	swait.ge [sflag:s29], $0x1  }
0xc3: {  	[sflag:s29] =	ssyncadd.s32 $0xFFFFFFFF  }
0xc4: {  	_ =	strace $0x9000004B  }
0xc5: {  	_ =	sfence  }
0xc6: {  	s30 =	sld [smem:$0x0];
	_ =	sdelay $0x2  }
0xc7: {  	s31 =	sshll.u32 s1, $0xD;
	s1 =	sshrl.u32 s1, $0x2  }
0xc8: {  	s4 =	sand.u32 $0x4000, s31;
	s1 =	sadd.s32 s1, s30  }
0xc9: {  	s0 =	sor.u32 s4, s0;
	s1 =	sshll.u32 s1, $0x11  }
0xca: {  	s0 =	sor.u32 s1, s0  }
0xcb: {  	s0 =	sadd.s32 $0x8F2B, s0  }
0xcc: {  	[sflag:s0] =	ssyncadd.remote.s32 $0x1  }
0xcd: {  	_ =	sfence.sel $0xFFFF  }
0xce: {  	[dreg:$0x0] =	wrdreg $0xFFFFFFFF;
	(pc) =	sbr.abs _section_cstart, $3  }
0xcf: {  	[dreg:$0x1] =	wrdreg $0xFFFFFFFF  }
0xd0: {  	_ =	task.clear_ibuf [dreg:s22], $0x2FFFF;
	_ =	strace $0x9FFFFFFF  }
0xd1: {  	(tm) =	ssettm $0x7FFFFFFF  }
tec
execute0_lowered:
.L_overlay_start_1:
0x0: {  	(tag) =	ssettag $0x1  }
0x1: {  	s2 =	stileid.u32  }
0x2: {  	s0 =	srdreg.scid;
	s1 =	sshll.u32 s2, $0x1  }
0x3: {  	s0 =	sand.u32 $0x1, s0;
	s1 =	sand.u32 $0x6, s1  }
0x4: {  	s2 =	sshll.u32 s2, $0x8;
	s1 =	sor.u32 s0, s1  }
0x5: {  	s4 =	rddreg [dreg:$0x0];
	s3 =	sand.u32 $0xC00, s2;
	s1 =	sshll.u32 s1, $0x7  }
0x6: {  	s2 =	rddreg [dreg:$0x1];
	s1 =	sor.u32 s3, s1;
	s3 =	simm.s32 $0x0  }
0x7: {  	s20 =	simm.s32 $0x8880;
	[smem:$0x7FF] =	sst s3  }
0x8: {  	s21 =	simm.s32 $0x9080;
	_ =	strace $0x8000004A;
	[dreg:$0xc] =	wrdreg s20  }
0x9: {  	s22 =	simm.s32 $0x9880;
	[dreg:$0xd] =	wrdreg s21  }
0xa: {  	s23 =	simm.s32 $0xA080;
	[dreg:$0xe] =	wrdreg s22  }
0xb: {  	s24 =	simm.s32 $0xA880;
	[dreg:$0xf] =	wrdreg s23  }
0xc: {  	s25 =	simm.s32 $0xB080;
	[dreg:$0x10] =	wrdreg s24  }
0xd: {  	s6 =	simm.s32 $0xC880;
	[dreg:$0x11] =	wrdreg s25  }
0xe: {  	s7 =	simm.s32 $0xD080;
	[dreg:$0x13] =	wrdreg s6  }
0xf: {  	s8 =	simm.s32 $0xD880;
	[dreg:$0x14] =	wrdreg s7  }
0x10: {  	s9 =	simm.s32 $0xE080;
	[dreg:$0x15] =	wrdreg s8  }
0x11: {  	s10 =	simm.s32 $0xE880;
	s0 =	ssub.s32 $0x2, s0;
	[dreg:$0x16] =	wrdreg s9  }
0x12: {  	s11 =	simm.s32 $0xF080;
	s26 =	sshrl.u32 s0, $0x1;
	[dreg:$0x17] =	wrdreg s10  }
0x13: {  	s0 =	ssub.s32 s0, s26;
	s26 =	simm.s32 $0x17880;
	[dreg:$0x18] =	wrdreg s11  }
0x14: {  	s20 =	simm.s32 $0x14880;
	[smem:$0x7FD] =	sst s26  }
0x15: {  	s21 =	simm.s32 $0x15080;
	[smem:$0x7F7] =	sst s20  }
0x16: {  	s22 =	simm.s32 $0x15880;
	[smem:$0x7F8] =	sst s21  }
0x17: {  	s5 =	sshrl.u32 s1, $0x3;
	s23 =	simm.s32 $0x16080;
	[smem:$0x7F9] =	sst s22  }
0x18: {  	s1 =	sshll.u32 s1, $0x7;
	s24 =	simm.s32 $0x16880;
	[smem:$0x7FA] =	sst s23  }
0x19: {  	s5 =	sadd.s32 s5, s4;
	s25 =	simm.s32 $0x17080;
	[smem:$0x7FB] =	sst s24  }
0x1a: {  	s1 =	sadd.s32 s1, s4;
	s12 =	sadd.s32 $0x1600, s5;
	[smem:$0x7FC] =	sst s25  }
0x1b: {  	s13 =	sadd.s32 $0x81800, s1;
	[dreg:$0x3] =	wrdreg s12  }
0x1c: {  	s30 =	simm.s32 $0x2;
	s14 =	sadd.s32 $0x82000, s1;
	[dreg:$0x4] =	wrdreg s13  }
0x1d: {  	s29 =	simm.s32 $0x3880;
	s15 =	sadd.s32 $0x82800, s1;
	[dreg:$0x5] =	wrdreg s14  }
0x1e: {  	s28 =	simm.s32 $0x4080;
	s16 =	sadd.s32 $0x83000, s1;
	[dreg:$0x6] =	wrdreg s15  }
0x1f: {  	s31 =	simm.s32 $0x4880;
	s17 =	sadd.s32 $0x83800, s1;
	[dreg:$0x7] =	wrdreg s16  }
0x20: {  	s4 =	sadd.s32 $0x100, s2;
	s18 =	sadd.s32 $0x84000, s1;
	[dreg:$0x8] =	wrdreg s17  }
0x21: {  	s6 =	sadd.s32 $0x300, s2;
	s19 =	sadd.s32 $0x84800, s1;
	[dreg:$0x9] =	wrdreg s18  }
0x22: {  	s7 =	smax.u32 s0, $0x1;
	s1 =	sadd.s32 $0x85000, s1;
	[dreg:$0xa] =	wrdreg s19  }
0x23: {  	s0 =	simm.s32 $0x7;
	s5 =	simm.s32 $0xB880;
	[dreg:$0xb] =	wrdreg s1  }
0x24: {  	s11 =	simm.s32 $0x8;
	[dreg:$0x12] =	wrdreg s5;
	s12 =	simm.s32 $0xF880  }
0x25: {  	s26 =	simm.s32 $0x3080;
	s13 =	simm.s32 $0x10880;
	[dreg:$0x19] =	wrdreg s12  }
0x26: {  	s10 =	simm.s32 $0x6080;
	s14 =	simm.s32 $0x11080;
	[dreg:$0x1a] =	wrdreg s13  }
0x27: {  	s21 =	simm.s32 $0x880;
	s15 =	simm.s32 $0x11880;
	[dreg:$0x1b] =	wrdreg s14  }
0x28: {  	s22 =	simm.s32 $0x1080;
	s16 =	simm.s32 $0x12080;
	[dreg:$0x1c] =	wrdreg s15  }
0x29: {  	s23 =	simm.s32 $0x1880;
	s17 =	simm.s32 $0x12880;
	[dreg:$0x1d] =	wrdreg s16  }
0x2a: {  	s24 =	simm.s32 $0x2080;
	s18 =	simm.s32 $0x13080;
	[dreg:$0x1e] =	wrdreg s17  }
0x2b: {  	s25 =	simm.s32 $0x2880;
	s19 =	simm.s32 $0x13880;
	[dreg:$0x1f] =	wrdreg s18  }
0x2c: {  	v2 =	vlaneseq.u32;
	s5 =	sadd.s32 $0x200, s2;
	s1 =	simm.s32 $0x1;
	[smem:$0x7F6] =	sst s19  }
0x2d: {  	vm0 =	vmmov $0xffff;
	v1 =	vshrl.u32 v2, $0x3;
	s17 =	simm.s32 $0x80;
	s12 =	simm.s32 $0x6880;
	s13 =	simm.s32 $0x7080  }
0x2e: {  	v0 =	vand.u32 $0x7, v2;
	v2 =	vor.u32 $0x8, v2;
	v1 =	vmul.u32 $0x8, v1;
	s14 =	simm.s32 $0x7880;
	s16 =	simm.s32 $0xC080;
	s18 =	simm.s32 $0x10080  }
.LBB2_1:
0x2f: {  	s19 =	rddreg [dreg:$0x3];
	s8 =	simm.s32 $0xD  }
0x30: {  	[tilespmem:s3], [sflag:$0xD] =	stream.linear.gather [hbm4b:s19+s3], $0x80, $0x38;
	[tilespmem:$0x18080] =	vst v63  }
0x31: {  	_ =	swait.ge [sflag:s8], $0x80  }
0x32: {  	[sflag:s8] =	ssyncset.done $0x0  }
0x33: {  	[sflag:s8] =	ssyncadd.s32 $0xFFFFFF80  }
0x34: {  	v3 =	vld [tilespmem:$0x0];
	_ =	sdelay $0x4  }
0x35: {  	v4 =	vshll.u32 v3, $0x3  }
0x36: {  	v3 =	vand.u32 $0x7, v3;
	v4 =	vand.u32 $0xFFFFFFC0, v4  }
0x37: {  	v3 =	vor.u32 v3, v4  }
0x38: {  	v4 =	vperm.xlane v3, v0;
	_ =	sdelay $0x1  }
0x39: {  	v4 =	vadd.s32 v1, v4;
	_ =	sdelay $0x4  }
0x3a: {  	[tilespmem:s17], [sflag:$0x1] =	stream.indirect_vreg.gather [hbm4b:s2+s3], $0x80, v4, vm0, $0xb8;
	[tilespmem:$0x18080] =	vst v63  }
0x3b: {  	v3 =	vperm.xlane v3, v2  }
0x3c: {  	[tilespmem:s21], [sflag:$0x1] =	stream.indirect_vreg.gather [hbm4b:s4+s3], $0x80, v4, vm0, $0xb8;
	[tilespmem:$0x18080] =	vst v63  }
0x3d: {  	v3 =	vadd.s32 v1, v3  }
0x3e: {  	[tilespmem:s22], [sflag:$0x1] =	stream.indirect_vreg.gather [hbm4b:s5+s3], $0x80, v4, vm0, $0xb8;
	[tilespmem:$0x18080] =	vst v63  }
0x3f: {  	_ = 	snop  }
0x40: {  	[tilespmem:s23], [sflag:$0x1] =	stream.indirect_vreg.gather [hbm4b:s6+s3], $0x80, v4, vm0, $0xb8;
	[tilespmem:$0x18080] =	vst v63  }
0x41: {  	_ = 	snop  }
0x42: {  	[tilespmem:s24], [sflag:$0x1] =	stream.indirect_vreg.gather [hbm4b:s2+s3], $0x80, v3, vm0, $0xb8;
	[tilespmem:$0x18080] =	vst v63  }
0x43: {  	_ = 	snop  }
0x44: {  	[tilespmem:s25], [sflag:$0x1] =	stream.indirect_vreg.gather [hbm4b:s4+s3], $0x80, v3, vm0, $0xb8;
	[tilespmem:$0x18080] =	vst v63  }
0x45: {  	_ = 	snop  }
0x46: {  	[tilespmem:s26], [sflag:$0x1] =	stream.indirect_vreg.gather [hbm4b:s5+s3], $0x80, v3, vm0, $0xb8;
	[tilespmem:$0x18080] =	vst v63  }
0x47: {  	_ = 	snop  }
0x48: {  	[tilespmem:s29], [sflag:$0x1] =	stream.indirect_vreg.gather [hbm4b:s6+s3], $0x80, v3, vm0, $0xb8;
	[tilespmem:$0x18080] =	vst v63  }
0x49: {  	v3 =	vld [tilespmem:$0x10];
	_ =	sdelay $0x4  }
0x4a: {  	v57 =	vshll.u32 v3, $0x3  }
0x4b: {  	v3 =	vand.u32 $0x7, v3;
	v4 =	vand.u32 $0xFFFFFFC0, v57  }
0x4c: {  	v3 =	vor.u32 v3, v4  }
0x4d: {  	v4 =	vperm.xlane v3, v0;
	_ =	sdelay $0x1  }
0x4e: {  	v4 =	vadd.s32 v1, v4;
	_ =	sdelay $0x4  }
0x4f: {  	[tilespmem:s28], [sflag:$0x2] =	stream.indirect_vreg.gather [hbm4b:s2+s3], $0x80, v4, vm0, $0xb8;
	[tilespmem:$0x18080] =	vst v63  }
0x50: {  	v3 =	vperm.xlane v3, v2  }
0x51: {  	[tilespmem:s31], [sflag:$0x2] =	stream.indirect_vreg.gather [hbm4b:s4+s3], $0x80, v4, vm0, $0xb8;
	[tilespmem:$0x18080] =	vst v63  }
0x52: {  	s8 =	simm.s32 $0x5080;
	v3 =	vadd.s32 v1, v3  }
0x53: {  	[tilespmem:s8], [sflag:$0x2] =	stream.indirect_vreg.gather [hbm4b:s5+s3], $0x80, v4, vm0, $0xb8;
	[tilespmem:$0x18080] =	vst v63  }
0x54: {  	s9 =	simm.s32 $0x5880  }
0x55: {  	[tilespmem:s9], [sflag:$0x2] =	stream.indirect_vreg.gather [hbm4b:s6+s3], $0x80, v4, vm0, $0xb8;
	[tilespmem:$0x18080] =	vst v63  }
0x56: {  	_ = 	snop  }
0x57: {  	[tilespmem:s10], [sflag:$0x2] =	stream.indirect_vreg.gather [hbm4b:s2+s3], $0x80, v3, vm0, $0xb8;
	[tilespmem:$0x18080] =	vst v63  }
0x58: {  	_ = 	snop  }
0x59: {  	[tilespmem:s12], [sflag:$0x2] =	stream.indirect_vreg.gather [hbm4b:s4+s3], $0x80, v3, vm0, $0xb8;
	[tilespmem:$0x18080] =	vst v63  }
0x5a: {  	_ = 	snop  }
0x5b: {  	[tilespmem:s13], [sflag:$0x2] =	stream.indirect_vreg.gather [hbm4b:s5+s3], $0x80, v3, vm0, $0xb8;
	[tilespmem:$0x18080] =	vst v63  }
0x5c: {  	_ = 	snop  }
0x5d: {  	[tilespmem:s14], [sflag:$0x2] =	stream.indirect_vreg.gather [hbm4b:s6+s3], $0x80, v3, vm0, $0xb8;
	[tilespmem:$0x18080] =	vst v63  }
0x5e: {  	v3 =	vld [tilespmem:$0x20];
	_ =	sdelay $0x4  }
0x5f: {  	v58 =	vshll.u32 v3, $0x3  }
0x60: {  	v3 =	vand.u32 $0x7, v3;
	v4 =	vand.u32 $0xFFFFFFC0, v58  }
0x61: {  	v3 =	vor.u32 v3, v4  }
0x62: {  	v4 =	vperm.xlane v3, v0;
	_ =	sdelay $0x1  }
0x63: {  	v4 =	vadd.s32 v1, v4;
	_ =	sdelay $0x3  }
0x64: {  	s15 =	simm.s32 $0x8080  }
0x65: {  	[tilespmem:s15], [sflag:$0x3] =	stream.indirect_vreg.gather [hbm4b:s2+s3], $0x80, v4, vm0, $0xb8;
	[tilespmem:$0x18080] =	vst v63  }
0x66: {  	s9 =	rddreg [dreg:$0xc];
	v3 =	vperm.xlane v3, v2  }
0x67: {  	[tilespmem:s9], [sflag:$0x3] =	stream.indirect_vreg.gather [hbm4b:s4+s3], $0x80, v4, vm0, $0xb8;
	[tilespmem:$0x18080] =	vst v63  }
0x68: {  	s20 =	rddreg [dreg:$0xd];
	v3 =	vadd.s32 v1, v3  }
0x69: {  	[tilespmem:s20], [sflag:$0x3] =	stream.indirect_vreg.gather [hbm4b:s5+s3], $0x80, v4, vm0, $0xb8;
	[tilespmem:$0x18080] =	vst v63  }
0x6a: {  	s9 =	rddreg [dreg:$0xe]  }
0x6b: {  	[tilespmem:s9], [sflag:$0x3] =	stream.indirect_vreg.gather [hbm4b:s6+s3], $0x80, v4, vm0, $0xb8;
	[tilespmem:$0x18080] =	vst v63  }
0x6c: {  	s20 =	rddreg [dreg:$0xf]  }
0x6d: {  	[tilespmem:s20], [sflag:$0x3] =	stream.indirect_vreg.gather [hbm4b:s2+s3], $0x80, v3, vm0, $0xb8;
	[tilespmem:$0x18080] =	vst v63  }
0x6e: {  	s9 =	rddreg [dreg:$0x10]  }
0x6f: {  	[tilespmem:s9], [sflag:$0x3] =	stream.indirect_vreg.gather [hbm4b:s4+s3], $0x80, v3, vm0, $0xb8;
	[tilespmem:$0x18080] =	vst v63  }
0x70: {  	s20 =	rddreg [dreg:$0x11]  }
0x71: {  	[tilespmem:s20], [sflag:$0x3] =	stream.indirect_vreg.gather [hbm4b:s5+s3], $0x80, v3, vm0, $0xb8;
	[tilespmem:$0x18080] =	vst v63  }
0x72: {  	s9 =	rddreg [dreg:$0x12]  }
0x73: {  	[tilespmem:s9], [sflag:$0x3] =	stream.indirect_vreg.gather [hbm4b:s6+s3], $0x80, v3, vm0, $0xb8;
	[tilespmem:$0x18080] =	vst v63  }
0x74: {  	v3 =	vld [tilespmem:$0x30];
	_ =	sdelay $0x4  }
0x75: {  	v59 =	vshll.u32 v3, $0x3  }
0x76: {  	v3 =	vand.u32 $0x7, v3;
	v4 =	vand.u32 $0xFFFFFFC0, v59  }
0x77: {  	v3 =	vor.u32 v3, v4  }
0x78: {  	v4 =	vperm.xlane v3, v0;
	_ =	sdelay $0x1  }
0x79: {  	v4 =	vadd.s32 v1, v4;
	_ =	sdelay $0x4  }
0x7a: {  	[tilespmem:s16], [sflag:$0x4] =	stream.indirect_vreg.gather [hbm4b:s2+s3], $0x80, v4, vm0, $0xb8;
	[tilespmem:$0x18080] =	vst v63  }
0x7b: {  	s9 =	rddreg [dreg:$0x13];
	v3 =	vperm.xlane v3, v2  }
0x7c: {  	[tilespmem:s9], [sflag:$0x4] =	stream.indirect_vreg.gather [hbm4b:s4+s3], $0x80, v4, vm0, $0xb8;
	[tilespmem:$0x18080] =	vst v63  }
0x7d: {  	s20 =	rddreg [dreg:$0x14];
	v3 =	vadd.s32 v1, v3  }
0x7e: {  	[tilespmem:s20], [sflag:$0x4] =	stream.indirect_vreg.gather [hbm4b:s5+s3], $0x80, v4, vm0, $0xb8;
	[tilespmem:$0x18080] =	vst v63  }
0x7f: {  	s9 =	rddreg [dreg:$0x15]  }
0x80: {  	[tilespmem:s9], [sflag:$0x4] =	stream.indirect_vreg.gather [hbm4b:s6+s3], $0x80, v4, vm0, $0xb8;
	[tilespmem:$0x18080] =	vst v63  }
0x81: {  	s20 =	rddreg [dreg:$0x16]  }
0x82: {  	[tilespmem:s20], [sflag:$0x4] =	stream.indirect_vreg.gather [hbm4b:s2+s3], $0x80, v3, vm0, $0xb8;
	[tilespmem:$0x18080] =	vst v63  }
0x83: {  	s9 =	rddreg [dreg:$0x17]  }
0x84: {  	[tilespmem:s9], [sflag:$0x4] =	stream.indirect_vreg.gather [hbm4b:s4+s3], $0x80, v3, vm0, $0xb8;
	[tilespmem:$0x18080] =	vst v63  }
0x85: {  	s20 =	rddreg [dreg:$0x18]  }
0x86: {  	[tilespmem:s20], [sflag:$0x4] =	stream.indirect_vreg.gather [hbm4b:s5+s3], $0x80, v3, vm0, $0xb8;
	[tilespmem:$0x18080] =	vst v63  }
0x87: {  	s9 =	rddreg [dreg:$0x19]  }
0x88: {  	[tilespmem:s9], [sflag:$0x4] =	stream.indirect_vreg.gather [hbm4b:s6+s3], $0x80, v3, vm0, $0xb8;
	[tilespmem:$0x18080] =	vst v63  }
0x89: {  	_ =	swait.ge [sflag:s1], $0x4000  }
0x8a: {  	[sflag:s1] =	ssyncset.done $0x0  }
0x8b: {  	s20 =	rddreg [dreg:$0x4];
	[sflag:s1] =	ssyncadd.s32 $0xFFFFC000  }
0x8c: {  	[hbm4b:s20+s3] =	stream.linear.scatter [tilespmem:s17], [sflag:$0x7], $0x4000, $0x38;
	[tilespmem:$0x18080] =	vst v63  }
0x8d: {  	v3 =	vld [tilespmem:$0x40];
	_ =	sdelay $0x4  }
0x8e: {  	v60 =	vshll.u32 v3, $0x3  }
0x8f: {  	v3 =	vand.u32 $0x7, v3;
	v4 =	vand.u32 $0xFFFFFFC0, v60  }
0x90: {  	v3 =	vor.u32 v3, v4  }
0x91: {  	v4 =	vperm.xlane v3, v0;
	_ =	sdelay $0x1  }
0x92: {  	v4 =	vadd.s32 v1, v4;
	_ =	sdelay $0x3  }
0x93: {  	s9 =	rddreg [dreg:$0x1a]  }
0x94: {  	[tilespmem:s18], [sflag:$0x5] =	stream.indirect_vreg.gather [hbm4b:s2+s3], $0x80, v4, vm0, $0xb8;
	[tilespmem:$0x18080] =	vst v63  }
0x95: {  	s20 =	rddreg [dreg:$0x1b];
	v3 =	vperm.xlane v3, v2  }
0x96: {  	[tilespmem:s9], [sflag:$0x5] =	stream.indirect_vreg.gather [hbm4b:s4+s3], $0x80, v4, vm0, $0xb8;
	[tilespmem:$0x18080] =	vst v63  }
0x97: {  	v3 =	vadd.s32 v1, v3;
	s9 =	rddreg [dreg:$0x1c]  }
0x98: {  	[tilespmem:s20], [sflag:$0x5] =	stream.indirect_vreg.gather [hbm4b:s5+s3], $0x80, v4, vm0, $0xb8;
	[tilespmem:$0x18080] =	vst v63  }
0x99: {  	s20 =	rddreg [dreg:$0x1d]  }
0x9a: {  	[tilespmem:s9], [sflag:$0x5] =	stream.indirect_vreg.gather [hbm4b:s6+s3], $0x80, v4, vm0, $0xb8;
	[tilespmem:$0x18080] =	vst v63  }
0x9b: {  	s9 =	rddreg [dreg:$0x1e]  }
0x9c: {  	[tilespmem:s20], [sflag:$0x5] =	stream.indirect_vreg.gather [hbm4b:s2+s3], $0x80, v3, vm0, $0xb8;
	[tilespmem:$0x18080] =	vst v63  }
0x9d: {  	s20 =	rddreg [dreg:$0x1f]  }
0x9e: {  	[tilespmem:s9], [sflag:$0x5] =	stream.indirect_vreg.gather [hbm4b:s4+s3], $0x80, v3, vm0, $0xb8;
	[tilespmem:$0x18080] =	vst v63  }
0x9f: {  	s9 =	sld [smem:$0x7F6]  }
0xa0: {  	[tilespmem:s20], [sflag:$0x5] =	stream.indirect_vreg.gather [hbm4b:s5+s3], $0x80, v3, vm0, $0xb8;
	[tilespmem:$0x18080] =	vst v63  }
0xa1: {  	_ = 	snop  }
0xa2: {  	[tilespmem:s9], [sflag:$0x5] =	stream.indirect_vreg.gather [hbm4b:s6+s3], $0x80, v3, vm0, $0xb8;
	[tilespmem:$0x18080] =	vst v63  }
0xa3: {  	_ =	swait.ge [sflag:s30], $0x4000  }
0xa4: {  	[sflag:s30] =	ssyncset.done $0x0  }
0xa5: {  	s9 =	rddreg [dreg:$0x5];
	[sflag:s30] =	ssyncadd.s32 $0xFFFFC000  }
0xa6: {  	[hbm4b:s9+s3] =	stream.linear.scatter [tilespmem:s28], [sflag:$0x8], $0x4000, $0x38;
	[tilespmem:$0x18080] =	vst v63  }
0xa7: {  	v3 =	vld [tilespmem:$0x50];
	_ =	sdelay $0x4  }
0xa8: {  	v61 =	vshll.u32 v3, $0x3  }
0xa9: {  	v3 =	vand.u32 $0x7, v3;
	v4 =	vand.u32 $0xFFFFFFC0, v61  }
0xaa: {  	v3 =	vor.u32 v3, v4  }
0xab: {  	v4 =	vperm.xlane v3, v0;
	_ =	sdelay $0x1  }
0xac: {  	v4 =	vadd.s32 v1, v4;
	_ =	sdelay $0x3  }
0xad: {  	s19 =	sld [smem:$0x7F7];
	s9 =	simm.s32 $0x14080  }
0xae: {  	[tilespmem:s9], [sflag:$0x6] =	stream.indirect_vreg.gather [hbm4b:s2+s3], $0x80, v4, vm0, $0xb8;
	[tilespmem:$0x18080] =	vst v63  }
0xaf: {  	s20 =	sld [smem:$0x7F8];
	v3 =	vperm.xlane v3, v2  }
0xb0: {  	[tilespmem:s19], [sflag:$0x6] =	stream.indirect_vreg.gather [hbm4b:s4+s3], $0x80, v4, vm0, $0xb8;
	[tilespmem:$0x18080] =	vst v63  }
0xb1: {  	v3 =	vadd.s32 v1, v3;
	s19 =	sld [smem:$0x7F9]  }
0xb2: {  	[tilespmem:s20], [sflag:$0x6] =	stream.indirect_vreg.gather [hbm4b:s5+s3], $0x80, v4, vm0, $0xb8;
	[tilespmem:$0x18080] =	vst v63  }
0xb3: {  	s20 =	sld [smem:$0x7FA]  }
0xb4: {  	[tilespmem:s19], [sflag:$0x6] =	stream.indirect_vreg.gather [hbm4b:s6+s3], $0x80, v4, vm0, $0xb8;
	[tilespmem:$0x18080] =	vst v63  }
0xb5: {  	s19 =	sld [smem:$0x7FB]  }
0xb6: {  	[tilespmem:s20], [sflag:$0x6] =	stream.indirect_vreg.gather [hbm4b:s2+s3], $0x80, v3, vm0, $0xb8;
	[tilespmem:$0x18080] =	vst v63  }
0xb7: {  	s20 =	sld [smem:$0x7FC]  }
0xb8: {  	[tilespmem:s19], [sflag:$0x6] =	stream.indirect_vreg.gather [hbm4b:s4+s3], $0x80, v3, vm0, $0xb8;
	[tilespmem:$0x18080] =	vst v63  }
0xb9: {  	s19 =	sld [smem:$0x7FD]  }
0xba: {  	[tilespmem:s20], [sflag:$0x6] =	stream.indirect_vreg.gather [hbm4b:s5+s3], $0x80, v3, vm0, $0xb8;
	[tilespmem:$0x18080] =	vst v63  }
0xbb: {  	s20 =	simm.s32 $0x3  }
0xbc: {  	[tilespmem:s19], [sflag:$0x6] =	stream.indirect_vreg.gather [hbm4b:s6+s3], $0x80, v3, vm0, $0xb8;
	[tilespmem:$0x18080] =	vst v63  }
0xbd: {  	_ =	swait.ge [sflag:s20], $0x4000  }
0xbe: {  	[sflag:s20] =	ssyncset.done $0x0  }
0xbf: {  	s19 =	rddreg [dreg:$0x6];
	[sflag:s20] =	ssyncadd.s32 $0xFFFFC000  }
0xc0: {  	[hbm4b:s19+s3] =	stream.linear.scatter [tilespmem:s15], [sflag:$0x9], $0x4000, $0x38;
	[tilespmem:$0x18080] =	vst v63  }
0xc1: {  	_ =	swait.ge [sflag:s0], $0x4000  }
0xc2: {  	[sflag:s0] =	ssyncset.done $0x0  }
0xc3: {  	[sflag:s0] =	ssyncadd.s32 $0xFFFFC000  }
0xc4: {  	v3 =	vld [tilespmem:$0x60];
	_ =	sdelay $0x4  }
0xc5: {  	v62 =	vshll.u32 v3, $0x3  }
0xc6: {  	v3 =	vand.u32 $0x7, v3;
	v4 =	vand.u32 $0xFFFFFFC0, v62  }
0xc7: {  	v3 =	vor.u32 v3, v4  }
0xc8: {  	v4 =	vperm.xlane v3, v0;
	_ =	sdelay $0x1  }
0xc9: {  	v4 =	vadd.s32 v1, v4;
	_ =	sdelay $0x4  }
0xca: {  	[tilespmem:s17], [sflag:$0x1] =	stream.indirect_vreg.gather [hbm4b:s2+s3], $0x80, v4, vm0, $0xb8;
	[tilespmem:$0x18080] =	vst v63  }
0xcb: {  	v3 =	vperm.xlane v3, v2  }
0xcc: {  	[tilespmem:s21], [sflag:$0x1] =	stream.indirect_vreg.gather [hbm4b:s4+s3], $0x80, v4, vm0, $0xb8;
	[tilespmem:$0x18080] =	vst v63  }
0xcd: {  	v3 =	vadd.s32 v1, v3  }
0xce: {  	[tilespmem:s22], [sflag:$0x1] =	stream.indirect_vreg.gather [hbm4b:s5+s3], $0x80, v4, vm0, $0xb8;
	[tilespmem:$0x18080] =	vst v63  }
0xcf: {  	_ = 	snop  }
0xd0: {  	[tilespmem:s23], [sflag:$0x1] =	stream.indirect_vreg.gather [hbm4b:s6+s3], $0x80, v4, vm0, $0xb8;
	[tilespmem:$0x18080] =	vst v63  }
0xd1: {  	_ = 	snop  }
0xd2: {  	[tilespmem:s24], [sflag:$0x1] =	stream.indirect_vreg.gather [hbm4b:s2+s3], $0x80, v3, vm0, $0xb8;
	[tilespmem:$0x18080] =	vst v63  }
0xd3: {  	_ = 	snop  }
0xd4: {  	[tilespmem:s25], [sflag:$0x1] =	stream.indirect_vreg.gather [hbm4b:s4+s3], $0x80, v3, vm0, $0xb8;
	[tilespmem:$0x18080] =	vst v63  }
0xd5: {  	_ = 	snop  }
0xd6: {  	[tilespmem:s26], [sflag:$0x1] =	stream.indirect_vreg.gather [hbm4b:s5+s3], $0x80, v3, vm0, $0xb8;
	[tilespmem:$0x18080] =	vst v63  }
0xd7: {  	s19 =	simm.s32 $0x4  }
0xd8: {  	[tilespmem:s29], [sflag:$0x1] =	stream.indirect_vreg.gather [hbm4b:s6+s3], $0x80, v3, vm0, $0xb8;
	[tilespmem:$0x18080] =	vst v63  }
0xd9: {  	_ =	swait.ge [sflag:s19], $0x4000  }
0xda: {  	[sflag:s19] =	ssyncset.done $0x0  }
0xdb: {  	s20 =	rddreg [dreg:$0x7];
	[sflag:s19] =	ssyncadd.s32 $0xFFFFC000  }
0xdc: {  	[hbm4b:s20+s3] =	stream.linear.scatter [tilespmem:s16], [sflag:$0xA], $0x4000, $0x38;
	[tilespmem:$0x18080] =	vst v63  }
0xdd: {  	_ =	swait.ge [sflag:s11], $0x4000  }
0xde: {  	[sflag:s11] =	ssyncset.done $0x0  }
0xdf: {  	[sflag:s11] =	ssyncadd.s32 $0xFFFFC000  }
0xe0: {  	v3 =	vld [tilespmem:$0x70];
	_ =	sdelay $0x4  }
0xe1: {  	v63 =	vshll.u32 v3, $0x3  }
0xe2: {  	v3 =	vand.u32 $0x7, v3;
	v4 =	vand.u32 $0xFFFFFFC0, v63  }
0xe3: {  	v3 =	vor.u32 v3, v4  }
0xe4: {  	v4 =	vperm.xlane v3, v0;
	_ =	sdelay $0x1  }
0xe5: {  	v4 =	vadd.s32 v1, v4;
	_ =	sdelay $0x4  }
0xe6: {  	[tilespmem:s28], [sflag:$0x2] =	stream.indirect_vreg.gather [hbm4b:s2+s3], $0x80, v4, vm0, $0xb8;
	[tilespmem:$0x18080] =	vst v63  }
0xe7: {  	v3 =	vperm.xlane v3, v2  }
0xe8: {  	[tilespmem:s31], [sflag:$0x2] =	stream.indirect_vreg.gather [hbm4b:s4+s3], $0x80, v4, vm0, $0xb8;
	[tilespmem:$0x18080] =	vst v63  }
0xe9: {  	v3 =	vadd.s32 v1, v3  }
0xea: {  	[tilespmem:s8], [sflag:$0x2] =	stream.indirect_vreg.gather [hbm4b:s5+s3], $0x80, v4, vm0, $0xb8;
	[tilespmem:$0x18080] =	vst v63  }
0xeb: {  	s19 =	simm.s32 $0x5880  }
0xec: {  	[tilespmem:s19], [sflag:$0x2] =	stream.indirect_vreg.gather [hbm4b:s6+s3], $0x80, v4, vm0, $0xb8;
	[tilespmem:$0x18080] =	vst v63  }
0xed: {  	_ = 	snop  }
0xee: {  	[tilespmem:s10], [sflag:$0x2] =	stream.indirect_vreg.gather [hbm4b:s2+s3], $0x80, v3, vm0, $0xb8;
	[tilespmem:$0x18080] =	vst v63  }
0xef: {  	_ = 	snop  }
0xf0: {  	[tilespmem:s12], [sflag:$0x2] =	stream.indirect_vreg.gather [hbm4b:s4+s3], $0x80, v3, vm0, $0xb8;
	[tilespmem:$0x18080] =	vst v63  }
0xf1: {  	_ = 	snop  }
0xf2: {  	[tilespmem:s13], [sflag:$0x2] =	stream.indirect_vreg.gather [hbm4b:s5+s3], $0x80, v3, vm0, $0xb8;
	[tilespmem:$0x18080] =	vst v63  }
0xf3: {  	s20 =	simm.s32 $0x5  }
0xf4: {  	[tilespmem:s14], [sflag:$0x2] =	stream.indirect_vreg.gather [hbm4b:s6+s3], $0x80, v3, vm0, $0xb8;
	[tilespmem:$0x18080] =	vst v63  }
0xf5: {  	_ =	swait.ge [sflag:s20], $0x4000  }
0xf6: {  	[sflag:s20] =	ssyncset.done $0x0  }
0xf7: {  	s15 =	rddreg [dreg:$0x8];
	[sflag:s20] =	ssyncadd.s32 $0xFFFFC000;
	s20 =	simm.s32 $0x6  }
0xf8: {  	[hbm4b:s15+s3] =	stream.linear.scatter [tilespmem:s18], [sflag:$0xB], $0x4000, $0x38;
	[tilespmem:$0x18080] =	vst v63  }
0xf9: {  	_ =	swait.ge [sflag:s20], $0x4000  }
0xfa: {  	[sflag:s20] =	ssyncset.done $0x0  }
0xfb: {  	s15 =	rddreg [dreg:$0x9];
	[sflag:s20] =	ssyncadd.s32 $0xFFFFC000  }
0xfc: {  	[hbm4b:s15+s3] =	stream.linear.scatter [tilespmem:s9], [sflag:$0xC], $0x4000, $0x38;
	[tilespmem:$0x18080] =	vst v63  }
0xfd: {  	_ =	swait.ge [sflag:s1], $0x4000  }
0xfe: {  	[sflag:s1] =	ssyncset.done $0x0  }
0xff: {  	s20 =	rddreg [dreg:$0xa];
	[sflag:s1] =	ssyncadd.s32 $0xFFFFC000  }
0x100: {  	[hbm4b:s20+s3] =	stream.linear.scatter [tilespmem:s17], [sflag:$0x7], $0x4000, $0x38;
	[tilespmem:$0x18080] =	vst v63  }
0x101: {  	_ =	swait.ge [sflag:s30], $0x4000  }
0x102: {  	[sflag:s30] =	ssyncset.done $0x0  }
0x103: {  	s9 =	simm.s32 $0x9;
	s8 =	rddreg [dreg:$0xb];
	[sflag:s30] =	ssyncadd.s32 $0xFFFFC000  }
0x104: {  	[hbm4b:s8+s3] =	stream.linear.scatter [tilespmem:s28], [sflag:$0x8], $0x4000, $0x38;
	[tilespmem:$0x18080] =	vst v63  }
0x105: {  	_ =	swait.ge [sflag:s9], $0x4000  }
0x106: {  	[sflag:s9] =	ssyncset.done $0x0  }
0x107: {  	s15 =	simm.s32 $0xA;
	[sflag:s9] =	ssyncadd.s32 $0xFFFFC000  }
0x108: {  	_ =	swait.ge [sflag:s15], $0x4000  }
0x109: {  	[sflag:s15] =	ssyncset.done $0x0  }
0x10a: {  	s19 =	simm.s32 $0xB;
	[sflag:s15] =	ssyncadd.s32 $0xFFFFC000  }
0x10b: {  	_ =	swait.ge [sflag:s19], $0x4000  }
0x10c: {  	[sflag:s19] =	ssyncset.done $0x0  }
0x10d: {  	s20 =	simm.s32 $0xC;
	[sflag:s19] =	ssyncadd.s32 $0xFFFFC000  }
0x10e: {  	_ =	swait.ge [sflag:s20], $0x4000  }
0x10f: {  	[sflag:s20] =	ssyncset.done $0x0  }
0x110: {  	[sflag:s20] =	ssyncadd.s32 $0xFFFFC000  }
0x111: {  	p0 =	sne.s32 s7, $0x1;
	_ =	swait.ge [sflag:s0], $0x4000  }
.Ltmp0:
0x112: {  	[sflag:s0] =	ssyncset.done $0x0;
	(pc) =	sbr.rel @p0 .LBB2_1-.Ltmp0, $4  }
0x113: {  	[sflag:s0] =	ssyncadd.s32 $0xFFFFC000  }
0x114: {  	_ =	swait.ge [sflag:s11], $0x4000  }
0x115: {  	[sflag:s11] =	ssyncset.done $0x0  }
0x116: {  	s7 =	sadd.s32 $0xFFFFFFFF, s7;
	[sflag:s11] =	ssyncadd.s32 $0xFFFFC000  }
0x117: {  	_ =	sfence.sel $0x180000  }
0x118: {  	[bflag:$0x0] =	sbarrier.arrive $0xFFFF  }
0x119: {  	_ =	strace $0x9000004A  }
0x11a: {  	s0 =	stileid.u32;
	[bflag:$0x2] =	sbarrier.arrive $0xFFFF  }
0x11b: {  	p0 =	sne.s32 s0, $0x0;
	s0 =	rddreg [dreg:$0x2]  }
0x11c: {  	s0 =	sadd.s32 @!p0 $0x100000, s0  }
0x11d: {  	[sflag:s0] =	ssyncadd.tile.s32 @!p0 $0x1;
	_ =	shalt  }
.Lfunc_end2:
_tile_overlayer_lowered:
.L_overlay_start_2:
0x11e: {  	(tag) =	ssettag $0x2  }
0x11f: {  	s0 =	rddreg [dreg:$0x0];
	s2 =	stileid.u32  }
0x120: {  	s1 =	rddreg [dreg:$0x1];
	p0 =	sne.s32 s2, $0x0  }
0x121: {  	s3 =	rddreg [dreg:$0x2];
	[bflag:$0x3] =	sbarrier.arrive $0xFFFF;
	s2 =	simm.s32 @!p0 $0x1C0D  }
0x122: {  	[timem:s3], [sflag:s2] =	dma.local @!p0 [hbm:s0], s1  }
0x123: {  	s0 =	simm.s32 @!p0 $0xD  }
0x124: {  	_ =	swait.ge @!p0 [sflag:s0], s1  }
0x125: {  	s1 =	ssub.s32 @!p0 $0x0, s1;
	[sflag:s0] =	ssyncset.done @!p0 $0x0  }
0x126: {  	[sflag:s0] =	ssyncadd.s32 @!p0 s1  }
0x127: {  	[bflag:$0x3] =	sbarrier.arrive $0xFFFF  }
0x128: {  	_ =	shalt  }

</sc_bundles>
